<compile_context>
chip_gen: v7x
topology: tpu7x:2x2x1
jax: 0.10.2.dev20260603
libtpu: 0.0.44.dev20260713+nightly
codegen_flags: <defaults>
</compile_context>

<pallas_src>
import functools

import jax
import jax.numpy as jnp
from jax import lax
from jax.experimental import pallas as pl
from jax.experimental.pallas import tpu as pltpu
from jax.experimental.pallas import tpu_sc as plsc
from jax._src.pallas import mpmd

_B = 16384
_D = 64
_SHARED = 16
_REST = _D - _SHARED
_SROWS = 6144
_CHUNK = 512


@functools.cache
def _build():
    try:
        info = plsc.get_sparse_core_info()
        nc, ns = info.num_cores, info.num_subcores
    except Exception:
        nc, ns = 2, 16
    nw = nc * ns
    bpc = _SROWS // nc
    nch = bpc // _CHUNK
    vrows = _B - _SROWS
    bpw = vrows // nw
    smesh = plsc.ScalarSubcoreMesh(axis_name="c")
    vmesh = plsc.VectorSubcoreMesh(core_axis_name="c", subcore_axis_name="s")

    def scalar_fn(x_hbm, table_hbm, shared_hbm, out_hbm,
                  idx_s, stage, idx_tv, rows_v, shared_v,
                  sem_sh, sem_tb, sem_so, sem_vg):
        del idx_tv, rows_v, shared_v, sem_vg
        cid = lax.axis_index("c")
        base = cid * bpc

        for c in range(nch):
            pltpu.sync_copy(x_hbm.at[pl.ds(base + c * _CHUNK, _CHUNK)], idx_s)

            def row(i, carry):
                r = idx_s[i]
                o = c * _CHUNK + i
                pltpu.async_copy(
                    shared_hbm, stage.at[o, pl.ds(0, _SHARED)], sem_sh
                )
                pltpu.async_copy(
                    table_hbm.at[r, pl.ds(_SHARED, _REST)],
                    stage.at[o, pl.ds(_SHARED, _REST)],
                    sem_tb,
                )
                return carry

            lax.fori_loop(0, _CHUNK, row, 0)

        def drain(i, carry):
            pltpu.make_async_copy(
                shared_hbm, stage.at[i, pl.ds(0, _SHARED)], sem_sh
            ).wait()
            pltpu.make_async_copy(
                table_hbm.at[0, pl.ds(_SHARED, _REST)],
                stage.at[i, pl.ds(_SHARED, _REST)],
                sem_tb,
            ).wait()
            return carry

        lax.fori_loop(0, bpc, drain, 0)
        pltpu.async_copy(stage, out_hbm.at[pl.ds(base, bpc)], sem_so).wait()

    def vector_fn(x_hbm, table_hbm, shared_hbm, out_hbm,
                  idx_s, stage, idx_tv, rows_v, shared_v,
                  sem_sh, sem_tb, sem_so, sem_vg):
        del idx_s, stage, sem_sh, sem_tb, sem_so
        wid = lax.axis_index("s") * nc + lax.axis_index("c")
        base = _SROWS + wid * bpw
        pltpu.sync_copy(x_hbm.at[pl.ds(base, bpw)], idx_tv)
        pltpu.sync_copy(shared_hbm, shared_v)

        def fire(g, carry):
            b0 = g * 16
            vi = idx_tv[pl.ds(b0, 16)]
            for j in range(16):
                r = vi[j]
                pltpu.async_copy(
                    table_hbm.at[pl.ds(r, 1), pl.ds(_SHARED, _REST)],
                    rows_v.at[pl.ds(b0 + j, 1), pl.ds(_SHARED, _REST)],
                    sem_vg,
                )
            return carry

        lax.fori_loop(0, bpw // 16, fire, 0)

        svec = shared_v[...]

        def prefill(i, carry):
            rows_v[i, pl.ds(0, _SHARED)] = svec
            return carry

        lax.fori_loop(0, bpw, prefill, 0)

        def drain(i, carry):
            pltpu.make_async_copy(
                table_hbm.at[pl.ds(0, 1), pl.ds(_SHARED, _REST)],
                rows_v.at[pl.ds(i, 1), pl.ds(_SHARED, _REST)],
                sem_vg,
            ).wait()
            return carry

        lax.fori_loop(0, bpw, drain, 0)
        pltpu.sync_copy(rows_v, out_hbm.at[pl.ds(base, bpw)])

    call = mpmd.mpmd_map(
        [(vmesh, vector_fn), (smesh, scalar_fn)],
        out_types=[jax.ShapeDtypeStruct((_B, _D), jnp.float32)],
        scratch_types=[
            pltpu.SMEM((_CHUNK,), jnp.int32) @ smesh,
            pltpu.VMEM_SHARED((bpc, _D), jnp.float32),
            pltpu.VMEM((bpw,), jnp.int32) @ vmesh,
            pltpu.VMEM((bpw, _D), jnp.float32) @ vmesh,
            pltpu.VMEM((_SHARED,), jnp.float32) @ vmesh,
            pltpu.SemaphoreType.DMA(()) @ smesh,
            pltpu.SemaphoreType.DMA(()) @ smesh,
            pltpu.SemaphoreType.DMA(()) @ smesh,
            pltpu.SemaphoreType.DMA(()) @ vmesh,
        ],
    )

    def run(X, table, shared):
        out = call(X, table, shared)
        return out[0] if isinstance(out, (list, tuple)) else out

    return run


def kernel(X, table, shared_embed):
    return _build()(X, table, shared_embed.reshape(_SHARED))

# --- scband reference (transcript-rebuilt; emitter-appended) ---
"""Pipeline reference for scband-shared-embeddings-64871186039099 (READ-ONLY COPY).

The authoritative reference and input builder live on the scoring server;
editing this copy changes nothing except your own understanding.
"""

import jax, jax.numpy as jnp
import numpy as np

N_EMBED = 1000000
EMBED_DIM = 64
FRAC_SHARED = 0.25
COL_EMBED_DIM = int(EMBED_DIM * FRAC_SHARED)  # 16
BATCH = 16384


def setup_inputs(seed: int = 0) -> dict:
    key = jax.random.key(seed)
    k1, k2, k3 = jax.random.split(key, 3)
    X = jax.random.randint(k1, (BATCH,), 0, N_EMBED, dtype=jnp.int64 if jax.config.read('jax_enable_x64') else jnp.int32)
    X = X.astype(jnp.int32)
    # embedding table, clamped to [-2, 2]; padding_idx=0 row is zeros
    table = jax.random.normal(k2, (N_EMBED, EMBED_DIM), dtype=jnp.float32)
    table = jnp.clip(table, -2.0, 2.0)
    table = table.at[0].set(0.0)
    # shared embedding parameter uniform(-1, 1), shape (1, col_embed_dim)
    shared_embed = jax.random.uniform(k3, (1, COL_EMBED_DIM), dtype=jnp.float32, minval=-1.0, maxval=1.0)
    return {"X": X, "table": table, "shared_embed": shared_embed}


def reference(X, table, shared_embed):
    # emulate padding_idx=0 (row 0 fixed at zero)
    table_eff = table.at[0].set(0.0)
    # embedding lookup (eval mode -> dropout is identity)
    out = jnp.take(table_eff, X, axis=0)  # [B, embed_dim]
    # overwrite first col_embed_dim columns with shared embedding (add_shared_embed=False)
    shared = jnp.broadcast_to(shared_embed, (out.shape[0], shared_embed.shape[1]))
    out = out.at[:, : shared_embed.shape[1]].set(shared)
    return out

if __name__ == "__main__":
    import jax
    _d = setup_inputs()
    print(jax.jit(kernel)(*tuple(_d.values())))

</pallas_src>

<mosaic_0001>
#map = affine_map<(d0, d1) -> (0)>
#map1 = affine_map<(d0, d1) -> (0, 0)>
#map2 = affine_map<(d0) -> (0)>
#map3 = affine_map<(d0) -> (0, 0)>
module attributes {stable_mosaic.version = 14 : i64} {
  func.func @vector_fn(%arg0: i32, %arg1: i32, %arg2: memref<16384xi32, #tpu.memory_space<hbm>>, %arg3: memref<1000000x64xf32, #tpu.memory_space<hbm>>, %arg4: memref<16xf32, #tpu.memory_space<hbm>>, %arg5: memref<16384x64xf32, #tpu.memory_space<hbm>>, %arg6: memref<512xi32, #tpu.memory_space<smem, sc_scalar_subcore>>, %arg7: memref<3072x64xf32, #tpu.memory_space<vmem_shared>>, %arg8: memref<320xi32, #tpu.memory_space<vmem>>, %arg9: memref<320x64xf32, #tpu.memory_space<vmem>>, %arg10: memref<16xf32, #tpu.memory_space<vmem>>, %arg11: memref<!tpu.dma_semaphore, #tpu.memory_space<semaphore_mem, sc_scalar_subcore>>, %arg12: memref<!tpu.dma_semaphore, #tpu.memory_space<semaphore_mem, sc_scalar_subcore>>, %arg13: memref<!tpu.dma_semaphore, #tpu.memory_space<semaphore_mem, sc_scalar_subcore>>, %arg14: memref<!tpu.dma_semaphore, #tpu.memory_space<semaphore_mem>>) attributes {dimension_semantics = [#tpu.dimension_semantics<core_parallel>, #tpu.dimension_semantics<subcore_parallel>], iteration_bounds = array<i64: 2, 16>, scalar_prefetch = 0 : i64, scratch_operands = 9 : i64, tpu.core_type = #tpu.core_type<sc_vector_subcore>, window_params = [{transform_indices = #map}, {transform_indices = #map1}, {transform_indices = #map}, {transform_indices = #map1}]} {
    %mul3A = arith.constant 2 : i32
    %mul3A_0 = arith.muli %arg1, %mul3A : i32
    %add3A = arith.addi %mul3A_0, %arg0 : i32
    %mul3A_1 = arith.constant 320 : i32
    %mul3A_2 = arith.muli %add3A, %mul3A_1 : i32
    %add3A_3 = arith.constant 6144 : i32
    %add3A_4 = arith.addi %add3A_3, %mul3A_2 : i32
    "tpu.region"() ({
      %run_scoped3A = tpu.sem_alloc : memref<!tpu.dma_semaphore, #tpu.memory_space<semaphore_mem>>
      %dma_start3A = tpu.memref_slice %arg2[%add3A_4] : memref<16384xi32, #tpu.memory_space<hbm>> -> memref<320xi32, #tpu.memory_space<hbm>>
      %dma_start3A_24 = tpu.memref_slice %arg2[%add3A_4] : memref<16384xi32, #tpu.memory_space<hbm>> -> memref<320xi32, #tpu.memory_space<hbm>>
      tpu.enqueue_dma source(%dma_start3A_24 : memref<320xi32, #tpu.memory_space<hbm>>) target(%arg8 : memref<320xi32, #tpu.memory_space<vmem>>) target_semaphore(%run_scoped3A : memref<!tpu.dma_semaphore, #tpu.memory_space<semaphore_mem>>)
      %dma_wait3A = tpu.memref_slice %arg2[%add3A_4] : memref<16384xi32, #tpu.memory_space<hbm>> -> memref<320xi32, #tpu.memory_space<hbm>>
      %dma_wait3A_25 = tpu.memref_slice %arg2[%add3A_4] : memref<16384xi32, #tpu.memory_space<hbm>> -> memref<320xi32, #tpu.memory_space<hbm>>
      tpu.wait_dma2 semaphore(%run_scoped3A : memref<!tpu.dma_semaphore, #tpu.memory_space<semaphore_mem>>) src(%dma_wait3A_25 : memref<320xi32, #tpu.memory_space<hbm>>) dst(%arg8 : memref<320xi32, #tpu.memory_space<vmem>>)
      tpu.yield
    }) : () -> ()
    "tpu.region"() ({
      %run_scoped3A = tpu.sem_alloc : memref<!tpu.dma_semaphore, #tpu.memory_space<semaphore_mem>>
      tpu.enqueue_dma source(%arg4 : memref<16xf32, #tpu.memory_space<hbm>>) target(%arg10 : memref<16xf32, #tpu.memory_space<vmem>>) target_semaphore(%run_scoped3A : memref<!tpu.dma_semaphore, #tpu.memory_space<semaphore_mem>>)
      tpu.wait_dma2 semaphore(%run_scoped3A : memref<!tpu.dma_semaphore, #tpu.memory_space<semaphore_mem>>) src(%arg4 : memref<16xf32, #tpu.memory_space<hbm>>) dst(%arg10 : memref<16xf32, #tpu.memory_space<vmem>>)
      tpu.yield
    }) : () -> ()
    %scan3A = arith.constant 0 : i32
    %scan3A_5 = arith.constant 0 : i32
    %scan3A_6 = arith.constant 20 : i32
    %scan3A_7 = arith.addi %scan3A_5, %scan3A_6 : i32
    %scan3A_8 = arith.constant 1 : i32
    scf.for %scan3A_24 = %scan3A_5 to %scan3A_7 step %scan3A_8  : i32 {
      %mul3A_25 = arith.constant 16 : i32
      %mul3A_26 = arith.muli %scan3A_24, %mul3A_25 : i32
      %get3A_27 = arith.index_cast %mul3A_26 : i32 to index
      %get3A_28 = tpu.vector_load %arg8[%get3A_27] {strides = array<i32>} : memref<320xi32, #tpu.memory_space<vmem>>, vector<16xi32>,
      %get3A_29 = vector.shape_cast %get3A_28 : vector<16xi32> to vector<16xi32>
      %slice3A = vector.extract_strided_slice %get3A_29 {offsets = [0], sizes = [1], strides = [1]} : vector<16xi32> to vector<1xi32>
      %squeeze3A = vector.extract %slice3A[0] : i32 from vector<1xi32>
      %add3A_30 = arith.constant 0 : i32
      %add3A_31 = arith.addi %mul3A_26, %add3A_30 : i32
      %dma_start3A = arith.constant 16 : i32
      %dma_start3A_32 = tpu.memref_slice %arg9[%add3A_31, %dma_start3A] : memref<320x64xf32, #tpu.memory_space<vmem>> -> memref<1x48xf32, #tpu.memory_space<vmem>>
      %dma_start3A_33 = arith.constant 16 : i32
      %dma_start3A_34 = tpu.memref_slice %arg3[%squeeze3A, %dma_start3A_33] : memref<1000000x64xf32, #tpu.memory_space<hbm>> -> memref<1x48xf32, #tpu.memory_space<hbm>>
      %dma_start3A_35 = arith.constant 16 : i32
      %dma_start3A_36 = tpu.memref_slice %arg9[%add3A_31, %dma_start3A_35] : memref<320x64xf32, #tpu.memory_space<vmem>> -> memref<1x48xf32, #tpu.memory_space<vmem>>
      %dma_start3A_37 = arith.constant 16 : i32
      %dma_start3A_38 = tpu.memref_slice %arg3[%squeeze3A, %dma_start3A_37] : memref<1000000x64xf32, #tpu.memory_space<hbm>> -> memref<1x48xf32, #tpu.memory_space<hbm>>
      tpu.enqueue_dma source(%dma_start3A_38 : memref<1x48xf32, #tpu.memory_space<hbm>>) target(%dma_start3A_36 : memref<1x48xf32, #tpu.memory_space<vmem>>) target_semaphore(%arg14 : memref<!tpu.dma_semaphore, #tpu.memory_space<semaphore_mem>>)
      %slice3A_39 = vector.extract_strided_slice %get3A_29 {offsets = [1], sizes = [1], strides = [1]} : vector<16xi32> to vector<1xi32>
      %squeeze3A_40 = vector.extract %slice3A_39[0] : i32 from vector<1xi32>
      %add3A_41 = arith.constant 1 : i32
      %add3A_42 = arith.addi %mul3A_26, %add3A_41 : i32
      %dma_start3A_43 = arith.constant 16 : i32
      %dma_start3A_44 = tpu.memref_slice %arg9[%add3A_42, %dma_start3A_43] : memref<320x64xf32, #tpu.memory_space<vmem>> -> memref<1x48xf32, #tpu.memory_space<vmem>>
      %dma_start3A_45 = arith.constant 16 : i32
      %dma_start3A_46 = tpu.memref_slice %arg3[%squeeze3A_40, %dma_start3A_45] : memref<1000000x64xf32, #tpu.memory_space<hbm>> -> memref<1x48xf32, #tpu.memory_space<hbm>>
      %dma_start3A_47 = arith.constant 16 : i32
      %dma_start3A_48 = tpu.memref_slice %arg9[%add3A_42, %dma_start3A_47] : memref<320x64xf32, #tpu.memory_space<vmem>> -> memref<1x48xf32, #tpu.memory_space<vmem>>
      %dma_start3A_49 = arith.constant 16 : i32
      %dma_start3A_50 = tpu.memref_slice %arg3[%squeeze3A_40, %dma_start3A_49] : memref<1000000x64xf32, #tpu.memory_space<hbm>> -> memref<1x48xf32, #tpu.memory_space<hbm>>
      tpu.enqueue_dma source(%dma_start3A_50 : memref<1x48xf32, #tpu.memory_space<hbm>>) target(%dma_start3A_48 : memref<1x48xf32, #tpu.memory_space<vmem>>) target_semaphore(%arg14 : memref<!tpu.dma_semaphore, #tpu.memory_space<semaphore_mem>>)
      %slice3A_51 = vector.extract_strided_slice %get3A_29 {offsets = [2], sizes = [1], strides = [1]} : vector<16xi32> to vector<1xi32>
      %squeeze3A_52 = vector.extract %slice3A_51[0] : i32 from vector<1xi32>
      %add3A_53 = arith.constant 2 : i32
      %add3A_54 = arith.addi %mul3A_26, %add3A_53 : i32
      %dma_start3A_55 = arith.constant 16 : i32
      %dma_start3A_56 = tpu.memref_slice %arg9[%add3A_54, %dma_start3A_55] : memref<320x64xf32, #tpu.memory_space<vmem>> -> memref<1x48xf32, #tpu.memory_space<vmem>>
      %dma_start3A_57 = arith.constant 16 : i32
      %dma_start3A_58 = tpu.memref_slice %arg3[%squeeze3A_52, %dma_start3A_57] : memref<1000000x64xf32, #tpu.memory_space<hbm>> -> memref<1x48xf32, #tpu.memory_space<hbm>>
      %dma_start3A_59 = arith.constant 16 : i32
      %dma_start3A_60 = tpu.memref_slice %arg9[%add3A_54, %dma_start3A_59] : memref<320x64xf32, #tpu.memory_space<vmem>> -> memref<1x48xf32, #tpu.memory_space<vmem>>
      %dma_start3A_61 = arith.constant 16 : i32
      %dma_start3A_62 = tpu.memref_slice %arg3[%squeeze3A_52, %dma_start3A_61] : memref<1000000x64xf32, #tpu.memory_space<hbm>> -> memref<1x48xf32, #tpu.memory_space<hbm>>
      tpu.enqueue_dma source(%dma_start3A_62 : memref<1x48xf32, #tpu.memory_space<hbm>>) target(%dma_start3A_60 : memref<1x48xf32, #tpu.memory_space<vmem>>) target_semaphore(%arg14 : memref<!tpu.dma_semaphore, #tpu.memory_space<semaphore_mem>>)
      %slice3A_63 = vector.extract_strided_slice %get3A_29 {offsets = [3], sizes = [1], strides = [1]} : vector<16xi32> to vector<1xi32>
      %squeeze3A_64 = vector.extract %slice3A_63[0] : i32 from vector<1xi32>
      %add3A_65 = arith.constant 3 : i32
      %add3A_66 = arith.addi %mul3A_26, %add3A_65 : i32
      %dma_start3A_67 = arith.constant 16 : i32
      %dma_start3A_68 = tpu.memref_slice %arg9[%add3A_66, %dma_start3A_67] : memref<320x64xf32, #tpu.memory_space<vmem>> -> memref<1x48xf32, #tpu.memory_space<vmem>>
      %dma_start3A_69 = arith.constant 16 : i32
      %dma_start3A_70 = tpu.memref_slice %arg3[%squeeze3A_64, %dma_start3A_69] : memref<1000000x64xf32, #tpu.memory_space<hbm>> -> memref<1x48xf32, #tpu.memory_space<hbm>>
      %dma_start3A_71 = arith.constant 16 : i32
      %dma_start3A_72 = tpu.memref_slice %arg9[%add3A_66, %dma_start3A_71] : memref<320x64xf32, #tpu.memory_space<vmem>> -> memref<1x48xf32, #tpu.memory_space<vmem>>
      %dma_start3A_73 = arith.constant 16 : i32
      %dma_start3A_74 = tpu.memref_slice %arg3[%squeeze3A_64, %dma_start3A_73] : memref<1000000x64xf32, #tpu.memory_space<hbm>> -> memref<1x48xf32, #tpu.memory_space<hbm>>
      tpu.enqueue_dma source(%dma_start3A_74 : memref<1x48xf32, #tpu.memory_space<hbm>>) target(%dma_start3A_72 : memref<1x48xf32, #tpu.memory_space<vmem>>) target_semaphore(%arg14 : memref<!tpu.dma_semaphore, #tpu.memory_space<semaphore_mem>>)
      %slice3A_75 = vector.extract_strided_slice %get3A_29 {offsets = [4], sizes = [1], strides = [1]} : vector<16xi32> to vector<1xi32>
      %squeeze3A_76 = vector.extract %slice3A_75[0] : i32 from vector<1xi32>
      %add3A_77 = arith.constant 4 : i32
      %add3A_78 = arith.addi %mul3A_26, %add3A_77 : i32
      %dma_start3A_79 = arith.constant 16 : i32
      %dma_start3A_80 = tpu.memref_slice %arg9[%add3A_78, %dma_start3A_79] : memref<320x64xf32, #tpu.memory_space<vmem>> -> memref<1x48xf32, #tpu.memory_space<vmem>>
      %dma_start3A_81 = arith.constant 16 : i32
      %dma_start3A_82 = tpu.memref_slice %arg3[%squeeze3A_76, %dma_start3A_81] : memref<1000000x64xf32, #tpu.memory_space<hbm>> -> memref<1x48xf32, #tpu.memory_space<hbm>>
      %dma_start3A_83 = arith.constant 16 : i32
      %dma_start3A_84 = tpu.memref_slice %arg9[%add3A_78, %dma_start3A_83] : memref<320x64xf32, #tpu.memory_space<vmem>> -> memref<1x48xf32, #tpu.memory_space<vmem>>
      %dma_start3A_85 = arith.constant 16 : i32
      %dma_start3A_86 = tpu.memref_slice %arg3[%squeeze3A_76, %dma_start3A_85] : memref<1000000x64xf32, #tpu.memory_space<hbm>> -> memref<1x48xf32, #tpu.memory_space<hbm>>
      tpu.enqueue_dma source(%dma_start3A_86 : memref<1x48xf32, #tpu.memory_space<hbm>>) target(%dma_start3A_84 : memref<1x48xf32, #tpu.memory_space<vmem>>) target_semaphore(%arg14 : memref<!tpu.dma_semaphore, #tpu.memory_space<semaphore_mem>>)
      %slice3A_87 = vector.extract_strided_slice %get3A_29 {offsets = [5], sizes = [1], strides = [1]} : vector<16xi32> to vector<1xi32>
      %squeeze3A_88 = vector.extract %slice3A_87[0] : i32 from vector<1xi32>
      %add3A_89 = arith.constant 5 : i32
      %add3A_90 = arith.addi %mul3A_26, %add3A_89 : i32
      %dma_start3A_91 = arith.constant 16 : i32
      %dma_start3A_92 = tpu.memref_slice %arg9[%add3A_90, %dma_start3A_91] : memref<320x64xf32, #tpu.memory_space<vmem>> -> memref<1x48xf32, #tpu.memory_space<vmem>>
      %dma_start3A_93 = arith.constant 16 : i32
      %dma_start3A_94 = tpu.memref_slice %arg3[%squeeze3A_88, %dma_start3A_93] : memref<1000000x64xf32, #tpu.memory_space<hbm>> -> memref<1x48xf32, #tpu.memory_space<hbm>>
      %dma_start3A_95 = arith.constant 16 : i32
      %dma_start3A_96 = tpu.memref_slice %arg9[%add3A_90, %dma_start3A_95] : memref<320x64xf32, #tpu.memory_space<vmem>> -> memref<1x48xf32, #tpu.memory_space<vmem>>
      %dma_start3A_97 = arith.constant 16 : i32
      %dma_start3A_98 = tpu.memref_slice %arg3[%squeeze3A_88, %dma_start3A_97] : memref<1000000x64xf32, #tpu.memory_space<hbm>> -> memref<1x48xf32, #tpu.memory_space<hbm>>
      tpu.enqueue_dma source(%dma_start3A_98 : memref<1x48xf32, #tpu.memory_space<hbm>>) target(%dma_start3A_96 : memref<1x48xf32, #tpu.memory_space<vmem>>) target_semaphore(%arg14 : memref<!tpu.dma_semaphore, #tpu.memory_space<semaphore_mem>>)
      %slice3A_99 = vector.extract_strided_slice %get3A_29 {offsets = [6], sizes = [1], strides = [1]} : vector<16xi32> to vector<1xi32>
      %squeeze3A_100 = vector.extract %slice3A_99[0] : i32 from vector<1xi32>
      %add3A_101 = arith.constant 6 : i32
      %add3A_102 = arith.addi %mul3A_26, %add3A_101 : i32
      %dma_start3A_103 = arith.constant 16 : i32
      %dma_start3A_104 = tpu.memref_slice %arg9[%add3A_102, %dma_start3A_103] : memref<320x64xf32, #tpu.memory_space<vmem>> -> memref<1x48xf32, #tpu.memory_space<vmem>>
      %dma_start3A_105 = arith.constant 16 : i32
      %dma_start3A_106 = tpu.memref_slice %arg3[%squeeze3A_100, %dma_start3A_105] : memref<1000000x64xf32, #tpu.memory_space<hbm>> -> memref<1x48xf32, #tpu.memory_space<hbm>>
      %dma_start3A_107 = arith.constant 16 : i32
      %dma_start3A_108 = tpu.memref_slice %arg9[%add3A_102, %dma_start3A_107] : memref<320x64xf32, #tpu.memory_space<vmem>> -> memref<1x48xf32, #tpu.memory_space<vmem>>
      %dma_start3A_109 = arith.constant 16 : i32
      %dma_start3A_110 = tpu.memref_slice %arg3[%squeeze3A_100, %dma_start3A_109] : memref<1000000x64xf32, #tpu.memory_space<hbm>> -> memref<1x48xf32, #tpu.memory_space<hbm>>
      tpu.enqueue_dma source(%dma_start3A_110 : memref<1x48xf32, #tpu.memory_space<hbm>>) target(%dma_start3A_108 : memref<1x48xf32, #tpu.memory_space<vmem>>) target_semaphore(%arg14 : memref<!tpu.dma_semaphore, #tpu.memory_space<semaphore_mem>>)
      %slice3A_111 = vector.extract_strided_slice %get3A_29 {offsets = [7], sizes = [1], strides = [1]} : vector<16xi32> to vector<1xi32>
      %squeeze3A_112 = vector.extract %slice3A_111[0] : i32 from vector<1xi32>
      %add3A_113 = arith.constant 7 : i32
      %add3A_114 = arith.addi %mul3A_26, %add3A_113 : i32
      %dma_start3A_115 = arith.constant 16 : i32
      %dma_start3A_116 = tpu.memref_slice %arg9[%add3A_114, %dma_start3A_115] : memref<320x64xf32, #tpu.memory_space<vmem>> -> memref<1x48xf32, #tpu.memory_space<vmem>>
      %dma_start3A_117 = arith.constant 16 : i32
      %dma_start3A_118 = tpu.memref_slice %arg3[%squeeze3A_112, %dma_start3A_117] : memref<1000000x64xf32, #tpu.memory_space<hbm>> -> memref<1x48xf32, #tpu.memory_space<hbm>>
      %dma_start3A_119 = arith.constant 16 : i32
      %dma_start3A_120 = tpu.memref_slice %arg9[%add3A_114, %dma_start3A_119] : memref<320x64xf32, #tpu.memory_space<vmem>> -> memref<1x48xf32, #tpu.memory_space<vmem>>
      %dma_start3A_121 = arith.constant 16 : i32
      %dma_start3A_122 = tpu.memref_slice %arg3[%squeeze3A_112, %dma_start3A_121] : memref<1000000x64xf32, #tpu.memory_space<hbm>> -> memref<1x48xf32, #tpu.memory_space<hbm>>
      tpu.enqueue_dma source(%dma_start3A_122 : memref<1x48xf32, #tpu.memory_space<hbm>>) target(%dma_start3A_120 : memref<1x48xf32, #tpu.memory_space<vmem>>) target_semaphore(%arg14 : memref<!tpu.dma_semaphore, #tpu.memory_space<semaphore_mem>>)
      %slice3A_123 = vector.extract_strided_slice %get3A_29 {offsets = [8], sizes = [1], strides = [1]} : vector<16xi32> to vector<1xi32>
      %squeeze3A_124 = vector.extract %slice3A_123[0] : i32 from vector<1xi32>
      %add3A_125 = arith.constant 8 : i32
      %add3A_126 = arith.addi %mul3A_26, %add3A_125 : i32
      %dma_start3A_127 = arith.constant 16 : i32
      %dma_start3A_128 = tpu.memref_slice %arg9[%add3A_126, %dma_start3A_127] : memref<320x64xf32, #tpu.memory_space<vmem>> -> memref<1x48xf32, #tpu.memory_space<vmem>>
      %dma_start3A_129 = arith.constant 16 : i32
      %dma_start3A_130 = tpu.memref_slice %arg3[%squeeze3A_124, %dma_start3A_129] : memref<1000000x64xf32, #tpu.memory_space<hbm>> -> memref<1x48xf32, #tpu.memory_space<hbm>>
      %dma_start3A_131 = arith.constant 16 : i32
      %dma_start3A_132 = tpu.memref_slice %arg9[%add3A_126, %dma_start3A_131] : memref<320x64xf32, #tpu.memory_space<vmem>> -> memref<1x48xf32, #tpu.memory_space<vmem>>
      %dma_start3A_133 = arith.constant 16 : i32
      %dma_start3A_134 = tpu.memref_slice %arg3[%squeeze3A_124, %dma_start3A_133] : memref<1000000x64xf32, #tpu.memory_space<hbm>> -> memref<1x48xf32, #tpu.memory_space<hbm>>
      tpu.enqueue_dma source(%dma_start3A_134 : memref<1x48xf32, #tpu.memory_space<hbm>>) target(%dma_start3A_132 : memref<1x48xf32, #tpu.memory_space<vmem>>) target_semaphore(%arg14 : memref<!tpu.dma_semaphore, #tpu.memory_space<semaphore_mem>>)
      %slice3A_135 = vector.extract_strided_slice %get3A_29 {offsets = [9], sizes = [1], strides = [1]} : vector<16xi32> to vector<1xi32>
      %squeeze3A_136 = vector.extract %slice3A_135[0] : i32 from vector<1xi32>
      %add3A_137 = arith.constant 9 : i32
      %add3A_138 = arith.addi %mul3A_26, %add3A_137 : i32
      %dma_start3A_139 = arith.constant 16 : i32
      %dma_start3A_140 = tpu.memref_slice %arg9[%add3A_138, %dma_start3A_139] : memref<320x64xf32, #tpu.memory_space<vmem>> -> memref<1x48xf32, #tpu.memory_space<vmem>>
      %dma_start3A_141 = arith.constant 16 : i32
      %dma_start3A_142 = tpu.memref_slice %arg3[%squeeze3A_136, %dma_start3A_141] : memref<1000000x64xf32, #tpu.memory_space<hbm>> -> memref<1x48xf32, #tpu.memory_space<hbm>>
      %dma_start3A_143 = arith.constant 16 : i32
      %dma_start3A_144 = tpu.memref_slice %arg9[%add3A_138, %dma_start3A_143] : memref<320x64xf32, #tpu.memory_space<vmem>> -> memref<1x48xf32, #tpu.memory_space<vmem>>
      %dma_start3A_145 = arith.constant 16 : i32
      %dma_start3A_146 = tpu.memref_slice %arg3[%squeeze3A_136, %dma_start3A_145] : memref<1000000x64xf32, #tpu.memory_space<hbm>> -> memref<1x48xf32, #tpu.memory_space<hbm>>
      tpu.enqueue_dma source(%dma_start3A_146 : memref<1x48xf32, #tpu.memory_space<hbm>>) target(%dma_start3A_144 : memref<1x48xf32, #tpu.memory_space<vmem>>) target_semaphore(%arg14 : memref<!tpu.dma_semaphore, #tpu.memory_space<semaphore_mem>>)
      %slice3A_147 = vector.extract_strided_slice %get3A_29 {offsets = [10], sizes = [1], strides = [1]} : vector<16xi32> to vector<1xi32>
      %squeeze3A_148 = vector.extract %slice3A_147[0] : i32 from vector<1xi32>
      %add3A_149 = arith.constant 10 : i32
      %add3A_150 = arith.addi %mul3A_26, %add3A_149 : i32
      %dma_start3A_151 = arith.constant 16 : i32
      %dma_start3A_152 = tpu.memref_slice %arg9[%add3A_150, %dma_start3A_151] : memref<320x64xf32, #tpu.memory_space<vmem>> -> memref<1x48xf32, #tpu.memory_space<vmem>>
      %dma_start3A_153 = arith.constant 16 : i32
      %dma_start3A_154 = tpu.memref_slice %arg3[%squeeze3A_148, %dma_start3A_153] : memref<1000000x64xf32, #tpu.memory_space<hbm>> -> memref<1x48xf32, #tpu.memory_space<hbm>>
      %dma_start3A_155 = arith.constant 16 : i32
      %dma_start3A_156 = tpu.memref_slice %arg9[%add3A_150, %dma_start3A_155] : memref<320x64xf32, #tpu.memory_space<vmem>> -> memref<1x48xf32, #tpu.memory_space<vmem>>
      %dma_start3A_157 = arith.constant 16 : i32
      %dma_start3A_158 = tpu.memref_slice %arg3[%squeeze3A_148, %dma_start3A_157] : memref<1000000x64xf32, #tpu.memory_space<hbm>> -> memref<1x48xf32, #tpu.memory_space<hbm>>
      tpu.enqueue_dma source(%dma_start3A_158 : memref<1x48xf32, #tpu.memory_space<hbm>>) target(%dma_start3A_156 : memref<1x48xf32, #tpu.memory_space<vmem>>) target_semaphore(%arg14 : memref<!tpu.dma_semaphore, #tpu.memory_space<semaphore_mem>>)
      %slice3A_159 = vector.extract_strided_slice %get3A_29 {offsets = [11], sizes = [1], strides = [1]} : vector<16xi32> to vector<1xi32>
      %squeeze3A_160 = vector.extract %slice3A_159[0] : i32 from vector<1xi32>
      %add3A_161 = arith.constant 11 : i32
      %add3A_162 = arith.addi %mul3A_26, %add3A_161 : i32
      %dma_start3A_163 = arith.constant 16 : i32
      %dma_start3A_164 = tpu.memref_slice %arg9[%add3A_162, %dma_start3A_163] : memref<320x64xf32, #tpu.memory_space<vmem>> -> memref<1x48xf32, #tpu.memory_space<vmem>>
      %dma_start3A_165 = arith.constant 16 : i32
      %dma_start3A_166 = tpu.memref_slice %arg3[%squeeze3A_160, %dma_start3A_165] : memref<1000000x64xf32, #tpu.memory_space<hbm>> -> memref<1x48xf32, #tpu.memory_space<hbm>>
      %dma_start3A_167 = arith.constant 16 : i32
      %dma_start3A_168 = tpu.memref_slice %arg9[%add3A_162, %dma_start3A_167] : memref<320x64xf32, #tpu.memory_space<vmem>> -> memref<1x48xf32, #tpu.memory_space<vmem>>
      %dma_start3A_169 = arith.constant 16 : i32
      %dma_start3A_170 = tpu.memref_slice %arg3[%squeeze3A_160, %dma_start3A_169] : memref<1000000x64xf32, #tpu.memory_space<hbm>> -> memref<1x48xf32, #tpu.memory_space<hbm>>
      tpu.enqueue_dma source(%dma_start3A_170 : memref<1x48xf32, #tpu.memory_space<hbm>>) target(%dma_start3A_168 : memref<1x48xf32, #tpu.memory_space<vmem>>) target_semaphore(%arg14 : memref<!tpu.dma_semaphore, #tpu.memory_space<semaphore_mem>>)
      %slice3A_171 = vector.extract_strided_slice %get3A_29 {offsets = [12], sizes = [1], strides = [1]} : vector<16xi32> to vector<1xi32>
      %squeeze3A_172 = vector.extract %slice3A_171[0] : i32 from vector<1xi32>
      %add3A_173 = arith.constant 12 : i32
      %add3A_174 = arith.addi %mul3A_26, %add3A_173 : i32
      %dma_start3A_175 = arith.constant 16 : i32
      %dma_start3A_176 = tpu.memref_slice %arg9[%add3A_174, %dma_start3A_175] : memref<320x64xf32, #tpu.memory_space<vmem>> -> memref<1x48xf32, #tpu.memory_space<vmem>>
      %dma_start3A_177 = arith.constant 16 : i32
      %dma_start3A_178 = tpu.memref_slice %arg3[%squeeze3A_172, %dma_start3A_177] : memref<1000000x64xf32, #tpu.memory_space<hbm>> -> memref<1x48xf32, #tpu.memory_space<hbm>>
      %dma_start3A_179 = arith.constant 16 : i32
      %dma_start3A_180 = tpu.memref_slice %arg9[%add3A_174, %dma_start3A_179] : memref<320x64xf32, #tpu.memory_space<vmem>> -> memref<1x48xf32, #tpu.memory_space<vmem>>
      %dma_start3A_181 = arith.constant 16 : i32
      %dma_start3A_182 = tpu.memref_slice %arg3[%squeeze3A_172, %dma_start3A_181] : memref<1000000x64xf32, #tpu.memory_space<hbm>> -> memref<1x48xf32, #tpu.memory_space<hbm>>
      tpu.enqueue_dma source(%dma_start3A_182 : memref<1x48xf32, #tpu.memory_space<hbm>>) target(%dma_start3A_180 : memref<1x48xf32, #tpu.memory_space<vmem>>) target_semaphore(%arg14 : memref<!tpu.dma_semaphore, #tpu.memory_space<semaphore_mem>>)
      %slice3A_183 = vector.extract_strided_slice %get3A_29 {offsets = [13], sizes = [1], strides = [1]} : vector<16xi32> to vector<1xi32>
      %squeeze3A_184 = vector.extract %slice3A_183[0] : i32 from vector<1xi32>
      %add3A_185 = arith.constant 13 : i32
      %add3A_186 = arith.addi %mul3A_26, %add3A_185 : i32
      %dma_start3A_187 = arith.constant 16 : i32
      %dma_start3A_188 = tpu.memref_slice %arg9[%add3A_186, %dma_start3A_187] : memref<320x64xf32, #tpu.memory_space<vmem>> -> memref<1x48xf32, #tpu.memory_space<vmem>>
      %dma_start3A_189 = arith.constant 16 : i32
      %dma_start3A_190 = tpu.memref_slice %arg3[%squeeze3A_184, %dma_start3A_189] : memref<1000000x64xf32, #tpu.memory_space<hbm>> -> memref<1x48xf32, #tpu.memory_space<hbm>>
      %dma_start3A_191 = arith.constant 16 : i32
      %dma_start3A_192 = tpu.memref_slice %arg9[%add3A_186, %dma_start3A_191] : memref<320x64xf32, #tpu.memory_space<vmem>> -> memref<1x48xf32, #tpu.memory_space<vmem>>
      %dma_start3A_193 = arith.constant 16 : i32
      %dma_start3A_194 = tpu.memref_slice %arg3[%squeeze3A_184, %dma_start3A_193] : memref<1000000x64xf32, #tpu.memory_space<hbm>> -> memref<1x48xf32, #tpu.memory_space<hbm>>
      tpu.enqueue_dma source(%dma_start3A_194 : memref<1x48xf32, #tpu.memory_space<hbm>>) target(%dma_start3A_192 : memref<1x48xf32, #tpu.memory_space<vmem>>) target_semaphore(%arg14 : memref<!tpu.dma_semaphore, #tpu.memory_space<semaphore_mem>>)
      %slice3A_195 = vector.extract_strided_slice %get3A_29 {offsets = [14], sizes = [1], strides = [1]} : vector<16xi32> to vector<1xi32>
      %squeeze3A_196 = vector.extract %slice3A_195[0] : i32 from vector<1xi32>
      %add3A_197 = arith.constant 14 : i32
      %add3A_198 = arith.addi %mul3A_26, %add3A_197 : i32
      %dma_start3A_199 = arith.constant 16 : i32
      %dma_start3A_200 = tpu.memref_slice %arg9[%add3A_198, %dma_start3A_199] : memref<320x64xf32, #tpu.memory_space<vmem>> -> memref<1x48xf32, #tpu.memory_space<vmem>>
      %dma_start3A_201 = arith.constant 16 : i32
      %dma_start3A_202 = tpu.memref_slice %arg3[%squeeze3A_196, %dma_start3A_201] : memref<1000000x64xf32, #tpu.memory_space<hbm>> -> memref<1x48xf32, #tpu.memory_space<hbm>>
      %dma_start3A_203 = arith.constant 16 : i32
      %dma_start3A_204 = tpu.memref_slice %arg9[%add3A_198, %dma_start3A_203] : memref<320x64xf32, #tpu.memory_space<vmem>> -> memref<1x48xf32, #tpu.memory_space<vmem>>
      %dma_start3A_205 = arith.constant 16 : i32
      %dma_start3A_206 = tpu.memref_slice %arg3[%squeeze3A_196, %dma_start3A_205] : memref<1000000x64xf32, #tpu.memory_space<hbm>> -> memref<1x48xf32, #tpu.memory_space<hbm>>
      tpu.enqueue_dma source(%dma_start3A_206 : memref<1x48xf32, #tpu.memory_space<hbm>>) target(%dma_start3A_204 : memref<1x48xf32, #tpu.memory_space<vmem>>) target_semaphore(%arg14 : memref<!tpu.dma_semaphore, #tpu.memory_space<semaphore_mem>>)
      %slice3A_207 = vector.extract_strided_slice %get3A_29 {offsets = [15], sizes = [1], strides = [1]} : vector<16xi32> to vector<1xi32>
      %squeeze3A_208 = vector.extract %slice3A_207[0] : i32 from vector<1xi32>
      %add3A_209 = arith.constant 15 : i32
      %add3A_210 = arith.addi %mul3A_26, %add3A_209 : i32
      %dma_start3A_211 = arith.constant 16 : i32
      %dma_start3A_212 = tpu.memref_slice %arg9[%add3A_210, %dma_start3A_211] : memref<320x64xf32, #tpu.memory_space<vmem>> -> memref<1x48xf32, #tpu.memory_space<vmem>>
      %dma_start3A_213 = arith.constant 16 : i32
      %dma_start3A_214 = tpu.memref_slice %arg3[%squeeze3A_208, %dma_start3A_213] : memref<1000000x64xf32, #tpu.memory_space<hbm>> -> memref<1x48xf32, #tpu.memory_space<hbm>>
      %dma_start3A_215 = arith.constant 16 : i32
      %dma_start3A_216 = tpu.memref_slice %arg9[%add3A_210, %dma_start3A_215] : memref<320x64xf32, #tpu.memory_space<vmem>> -> memref<1x48xf32, #tpu.memory_space<vmem>>
      %dma_start3A_217 = arith.constant 16 : i32
      %dma_start3A_218 = tpu.memref_slice %arg3[%squeeze3A_208, %dma_start3A_217] : memref<1000000x64xf32, #tpu.memory_space<hbm>> -> memref<1x48xf32, #tpu.memory_space<hbm>>
      tpu.enqueue_dma source(%dma_start3A_218 : memref<1x48xf32, #tpu.memory_space<hbm>>) target(%dma_start3A_216 : memref<1x48xf32, #tpu.memory_space<vmem>>) target_semaphore(%arg14 : memref<!tpu.dma_semaphore, #tpu.memory_space<semaphore_mem>>)
    }
    %scan3A_9 = arith.constant 20 : i32
    %get3A = arith.constant 0 : index
    %get3A_10 = tpu.vector_load %arg10[%get3A] {strides = array<i32>} : memref<16xf32, #tpu.memory_space<vmem>>, vector<16xf32>,
    %get3A_11 = vector.shape_cast %get3A_10 : vector<16xf32> to vector<16xf32>
    %scan3A_12 = arith.constant 0 : i32
    %scan3A_13 = arith.constant 0 : i32
    %scan3A_14 = arith.constant 320 : i32
    %scan3A_15 = arith.addi %scan3A_13, %scan3A_14 : i32
    %scan3A_16 = arith.constant 1 : i32
    scf.for %scan3A_24 = %scan3A_13 to %scan3A_15 step %scan3A_16  : i32 {
      %swap3A = arith.index_cast %scan3A_24 : i32 to index
      %swap3A_25 = arith.constant 0 : index
      %swap3A_26 = tpu.vector_load %arg9[%swap3A, %swap3A_25] {strides = array<i32>} : memref<320x64xf32, #tpu.memory_space<vmem>>, vector<1x16xf32>,
      %swap3A_27 = vector.shape_cast %swap3A_26 : vector<1x16xf32> to vector<16xf32>
      %swap3A_28 = vector.shape_cast %get3A_11 : vector<16xf32> to vector<1x16xf32>
      tpu.vector_store %arg9[%swap3A, %swap3A_25], %swap3A_28 {strides = array<i32>} : memref<320x64xf32, #tpu.memory_space<vmem>>, vector<1x16xf32>,
    }
    %scan3A_17 = arith.constant 320 : i32
    %scan3A_18 = arith.constant 0 : i32
    %scan3A_19 = arith.constant 0 : i32
    %scan3A_20 = arith.constant 320 : i32
    %scan3A_21 = arith.addi %scan3A_19, %scan3A_20 : i32
    %scan3A_22 = arith.constant 1 : i32
    scf.for %scan3A_24 = %scan3A_19 to %scan3A_21 step %scan3A_22  : i32 {
      %dma_wait3A = arith.constant 16 : i32
      %dma_wait3A_25 = tpu.memref_slice %arg9[%scan3A_24, %dma_wait3A] : memref<320x64xf32, #tpu.memory_space<vmem>> -> memref<1x48xf32, #tpu.memory_space<vmem>>
      %dma_wait3A_26 = arith.constant 0 : i32
      %dma_wait3A_27 = arith.constant 16 : i32
      %dma_wait3A_28 = tpu.memref_slice %arg3[%dma_wait3A_26, %dma_wait3A_27] : memref<1000000x64xf32, #tpu.memory_space<hbm>> -> memref<1x48xf32, #tpu.memory_space<hbm>>
      %dma_wait3A_29 = arith.constant 16 : i32
      %dma_wait3A_30 = tpu.memref_slice %arg9[%scan3A_24, %dma_wait3A_29] : memref<320x64xf32, #tpu.memory_space<vmem>> -> memref<1x48xf32, #tpu.memory_space<vmem>>
      %dma_wait3A_31 = arith.constant 0 : i32
      %dma_wait3A_32 = arith.constant 16 : i32
      %dma_wait3A_33 = tpu.memref_slice %arg3[%dma_wait3A_31, %dma_wait3A_32] : memref<1000000x64xf32, #tpu.memory_space<hbm>> -> memref<1x48xf32, #tpu.memory_space<hbm>>
      tpu.wait_dma2 semaphore(%arg14 : memref<!tpu.dma_semaphore, #tpu.memory_space<semaphore_mem>>) src(%dma_wait3A_33 : memref<1x48xf32, #tpu.memory_space<hbm>>) dst(%dma_wait3A_30 : memref<1x48xf32, #tpu.memory_space<vmem>>)
    }
    %scan3A_23 = arith.constant 320 : i32
    "tpu.region"() ({
      %run_scoped3A = tpu.sem_alloc : memref<!tpu.dma_semaphore, #tpu.memory_space<semaphore_mem>>
      %dma_start3A = arith.constant 0 : i32
      %dma_start3A_24 = tpu.memref_slice %arg5[%add3A_4, %dma_start3A] : memref<16384x64xf32, #tpu.memory_space<hbm>> -> memref<320x64xf32, #tpu.memory_space<hbm>>
      %dma_start3A_25 = arith.constant 0 : i32
      %dma_start3A_26 = tpu.memref_slice %arg5[%add3A_4, %dma_start3A_25] : memref<16384x64xf32, #tpu.memory_space<hbm>> -> memref<320x64xf32, #tpu.memory_space<hbm>>
      tpu.enqueue_dma source(%arg9 : memref<320x64xf32, #tpu.memory_space<vmem>>) target(%dma_start3A_26 : memref<320x64xf32, #tpu.memory_space<hbm>>) target_semaphore(%run_scoped3A : memref<!tpu.dma_semaphore, #tpu.memory_space<semaphore_mem>>)
      %dma_wait3A = arith.constant 0 : i32
      %dma_wait3A_27 = tpu.memref_slice %arg5[%add3A_4, %dma_wait3A] : memref<16384x64xf32, #tpu.memory_space<hbm>> -> memref<320x64xf32, #tpu.memory_space<hbm>>
      %dma_wait3A_28 = arith.constant 0 : i32
      %dma_wait3A_29 = tpu.memref_slice %arg5[%add3A_4, %dma_wait3A_28] : memref<16384x64xf32, #tpu.memory_space<hbm>> -> memref<320x64xf32, #tpu.memory_space<hbm>>
      tpu.wait_dma2 semaphore(%run_scoped3A : memref<!tpu.dma_semaphore, #tpu.memory_space<semaphore_mem>>) src(%arg9 : memref<320x64xf32, #tpu.memory_space<vmem>>) dst(%dma_wait3A_29 : memref<320x64xf32, #tpu.memory_space<hbm>>)
      tpu.yield
    }) : () -> ()
    return
  }
  func.func @scalar_fn(%arg0: i32, %arg1: memref<16384xi32, #tpu.memory_space<hbm>>, %arg2: memref<1000000x64xf32, #tpu.memory_space<hbm>>, %arg3: memref<16xf32, #tpu.memory_space<hbm>>, %arg4: memref<16384x64xf32, #tpu.memory_space<hbm>>, %arg5: memref<512xi32, #tpu.memory_space<smem>>, %arg6: memref<3072x64xf32, #tpu.memory_space<vmem_shared>>, %arg7: memref<320xi32, #tpu.memory_space<vmem, sc_vector_subcore>>, %arg8: memref<320x64xf32, #tpu.memory_space<vmem, sc_vector_subcore>>, %arg9: memref<16xf32, #tpu.memory_space<vmem, sc_vector_subcore>>, %arg10: memref<!tpu.dma_semaphore, #tpu.memory_space<semaphore_mem>>, %arg11: memref<!tpu.dma_semaphore, #tpu.memory_space<semaphore_mem>>, %arg12: memref<!tpu.dma_semaphore, #tpu.memory_space<semaphore_mem>>, %arg13: memref<!tpu.dma_semaphore, #tpu.memory_space<semaphore_mem, sc_vector_subcore>>) attributes {dimension_semantics = [#tpu.dimension_semantics<core_parallel>], iteration_bounds = array<i64: 2>, scalar_prefetch = 0 : i64, scratch_operands = 9 : i64, tpu.core_type = #tpu.core_type<sc_scalar_subcore>, window_params = [{transform_indices = #map2}, {transform_indices = #map3}, {transform_indices = #map2}, {transform_indices = #map3}]} {
    %mul3A = arith.constant 3072 : i32
    %mul3A_0 = arith.muli %arg0, %mul3A : i32
    %add3A = arith.constant 0 : i32
    %add3A_1 = arith.addi %mul3A_0, %add3A : i32
    "tpu.region"() ({
      %run_scoped3A = tpu.sem_alloc : memref<!tpu.dma_semaphore, #tpu.memory_space<semaphore_mem>>
      %dma_start3A_55 = tpu.memref_slice %arg1[%add3A_1] : memref<16384xi32, #tpu.memory_space<hbm>> -> memref<512xi32, #tpu.memory_space<hbm>>
      tpu.enqueue_dma source(%dma_start3A_55 : memref<512xi32, #tpu.memory_space<hbm>>) target(%arg5 : memref<512xi32, #tpu.memory_space<smem>>) target_semaphore(%run_scoped3A : memref<!tpu.dma_semaphore, #tpu.memory_space<semaphore_mem>>)
      %dma_wait3A_56 = tpu.memref_slice %arg1[%add3A_1] : memref<16384xi32, #tpu.memory_space<hbm>> -> memref<512xi32, #tpu.memory_space<hbm>>
      tpu.wait_dma2 semaphore(%run_scoped3A : memref<!tpu.dma_semaphore, #tpu.memory_space<semaphore_mem>>) src(%dma_wait3A_56 : memref<512xi32, #tpu.memory_space<hbm>>) dst(%arg5 : memref<512xi32, #tpu.memory_space<smem>>)
      tpu.yield
    }) : () -> ()
    %scan3A = arith.constant 0 : i32
    %scan3A_2 = arith.constant 0 : i32
    %scan3A_3 = arith.constant 512 : i32
    %scan3A_4 = arith.addi %scan3A_2, %scan3A_3 : i32
    %scan3A_5 = arith.constant 1 : i32
    scf.for %scan3A_55 = %scan3A_2 to %scan3A_4 step %scan3A_5  : i32 {
      %get3A = arith.index_cast %scan3A_55 : i32 to index
      %get3A_56 = memref.load %arg5[%get3A] : memref<512xi32, #tpu.memory_space<smem>>
      %add3A_57 = arith.constant 0 : i32
      %add3A_58 = arith.addi %add3A_57, %scan3A_55 : i32
      %dma_start3A_59 = arith.constant 0 : i32
      %dma_start3A_60 = tpu.memref_slice %arg6[%add3A_58, %dma_start3A_59] : memref<3072x64xf32, #tpu.memory_space<vmem_shared>> -> memref<1x16xf32, #tpu.memory_space<vmem_shared>>
      %dma_start3A_61 = tpu.memref_squeeze %dma_start3A_60 : memref<1x16xf32, #tpu.memory_space<vmem_shared>> -> memref<16xf32, #tpu.memory_space<vmem_shared>>
      tpu.enqueue_dma source(%arg3 : memref<16xf32, #tpu.memory_space<hbm>>) target(%dma_start3A_61 : memref<16xf32, #tpu.memory_space<vmem_shared>>) target_semaphore(%arg10 : memref<!tpu.dma_semaphore, #tpu.memory_space<semaphore_mem>>)
      %dma_start3A_62 = arith.constant 16 : i32
      %dma_start3A_63 = tpu.memref_slice %arg6[%add3A_58, %dma_start3A_62] : memref<3072x64xf32, #tpu.memory_space<vmem_shared>> -> memref<1x48xf32, #tpu.memory_space<vmem_shared>>
      %dma_start3A_64 = tpu.memref_squeeze %dma_start3A_63 : memref<1x48xf32, #tpu.memory_space<vmem_shared>> -> memref<48xf32, #tpu.memory_space<vmem_shared>>
      %dma_start3A_65 = arith.constant 16 : i32
      %dma_start3A_66 = tpu.memref_slice %arg2[%get3A_56, %dma_start3A_65] : memref<1000000x64xf32, #tpu.memory_space<hbm>> -> memref<1x48xf32, #tpu.memory_space<hbm>>
      %dma_start3A_67 = tpu.memref_squeeze %dma_start3A_66 : memref<1x48xf32, #tpu.memory_space<hbm>> -> memref<48xf32, #tpu.memory_space<hbm>>
      tpu.enqueue_dma source(%dma_start3A_67 : memref<48xf32, #tpu.memory_space<hbm>>) target(%dma_start3A_64 : memref<48xf32, #tpu.memory_space<vmem_shared>>) target_semaphore(%arg11 : memref<!tpu.dma_semaphore, #tpu.memory_space<semaphore_mem>>)
    }
    %scan3A_6 = arith.constant 512 : i32
    %add3A_7 = arith.constant 512 : i32
    %add3A_8 = arith.addi %mul3A_0, %add3A_7 : i32
    "tpu.region"() ({
      %run_scoped3A = tpu.sem_alloc : memref<!tpu.dma_semaphore, #tpu.memory_space<semaphore_mem>>
      %dma_start3A_55 = tpu.memref_slice %arg1[%add3A_8] : memref<16384xi32, #tpu.memory_space<hbm>> -> memref<512xi32, #tpu.memory_space<hbm>>
      tpu.enqueue_dma source(%dma_start3A_55 : memref<512xi32, #tpu.memory_space<hbm>>) target(%arg5 : memref<512xi32, #tpu.memory_space<smem>>) target_semaphore(%run_scoped3A : memref<!tpu.dma_semaphore, #tpu.memory_space<semaphore_mem>>)
      %dma_wait3A_56 = tpu.memref_slice %arg1[%add3A_8] : memref<16384xi32, #tpu.memory_space<hbm>> -> memref<512xi32, #tpu.memory_space<hbm>>
      tpu.wait_dma2 semaphore(%run_scoped3A : memref<!tpu.dma_semaphore, #tpu.memory_space<semaphore_mem>>) src(%dma_wait3A_56 : memref<512xi32, #tpu.memory_space<hbm>>) dst(%arg5 : memref<512xi32, #tpu.memory_space<smem>>)
      tpu.yield
    }) : () -> ()
    %scan3A_9 = arith.constant 0 : i32
    %scan3A_10 = arith.constant 0 : i32
    %scan3A_11 = arith.constant 512 : i32
    %scan3A_12 = arith.addi %scan3A_10, %scan3A_11 : i32
    %scan3A_13 = arith.constant 1 : i32
    scf.for %scan3A_55 = %scan3A_10 to %scan3A_12 step %scan3A_13  : i32 {
      %get3A = arith.index_cast %scan3A_55 : i32 to index
      %get3A_56 = memref.load %arg5[%get3A] : memref<512xi32, #tpu.memory_space<smem>>
      %add3A_57 = arith.constant 512 : i32
      %add3A_58 = arith.addi %add3A_57, %scan3A_55 : i32
      %dma_start3A_59 = arith.constant 0 : i32
      %dma_start3A_60 = tpu.memref_slice %arg6[%add3A_58, %dma_start3A_59] : memref<3072x64xf32, #tpu.memory_space<vmem_shared>> -> memref<1x16xf32, #tpu.memory_space<vmem_shared>>
      %dma_start3A_61 = tpu.memref_squeeze %dma_start3A_60 : memref<1x16xf32, #tpu.memory_space<vmem_shared>> -> memref<16xf32, #tpu.memory_space<vmem_shared>>
      tpu.enqueue_dma source(%arg3 : memref<16xf32, #tpu.memory_space<hbm>>) target(%dma_start3A_61 : memref<16xf32, #tpu.memory_space<vmem_shared>>) target_semaphore(%arg10 : memref<!tpu.dma_semaphore, #tpu.memory_space<semaphore_mem>>)
      %dma_start3A_62 = arith.constant 16 : i32
      %dma_start3A_63 = tpu.memref_slice %arg6[%add3A_58, %dma_start3A_62] : memref<3072x64xf32, #tpu.memory_space<vmem_shared>> -> memref<1x48xf32, #tpu.memory_space<vmem_shared>>
      %dma_start3A_64 = tpu.memref_squeeze %dma_start3A_63 : memref<1x48xf32, #tpu.memory_space<vmem_shared>> -> memref<48xf32, #tpu.memory_space<vmem_shared>>
      %dma_start3A_65 = arith.constant 16 : i32
      %dma_start3A_66 = tpu.memref_slice %arg2[%get3A_56, %dma_start3A_65] : memref<1000000x64xf32, #tpu.memory_space<hbm>> -> memref<1x48xf32, #tpu.memory_space<hbm>>
      %dma_start3A_67 = tpu.memref_squeeze %dma_start3A_66 : memref<1x48xf32, #tpu.memory_space<hbm>> -> memref<48xf32, #tpu.memory_space<hbm>>
      tpu.enqueue_dma source(%dma_start3A_67 : memref<48xf32, #tpu.memory_space<hbm>>) target(%dma_start3A_64 : memref<48xf32, #tpu.memory_space<vmem_shared>>) target_semaphore(%arg11 : memref<!tpu.dma_semaphore, #tpu.memory_space<semaphore_mem>>)
    }
    %scan3A_14 = arith.constant 512 : i32
    %add3A_15 = arith.constant 1024 : i32
    %add3A_16 = arith.addi %mul3A_0, %add3A_15 : i32
    "tpu.region"() ({
      %run_scoped3A = tpu.sem_alloc : memref<!tpu.dma_semaphore, #tpu.memory_space<semaphore_mem>>
      %dma_start3A_55 = tpu.memref_slice %arg1[%add3A_16] : memref<16384xi32, #tpu.memory_space<hbm>> -> memref<512xi32, #tpu.memory_space<hbm>>
      tpu.enqueue_dma source(%dma_start3A_55 : memref<512xi32, #tpu.memory_space<hbm>>) target(%arg5 : memref<512xi32, #tpu.memory_space<smem>>) target_semaphore(%run_scoped3A : memref<!tpu.dma_semaphore, #tpu.memory_space<semaphore_mem>>)
      %dma_wait3A_56 = tpu.memref_slice %arg1[%add3A_16] : memref<16384xi32, #tpu.memory_space<hbm>> -> memref<512xi32, #tpu.memory_space<hbm>>
      tpu.wait_dma2 semaphore(%run_scoped3A : memref<!tpu.dma_semaphore, #tpu.memory_space<semaphore_mem>>) src(%dma_wait3A_56 : memref<512xi32, #tpu.memory_space<hbm>>) dst(%arg5 : memref<512xi32, #tpu.memory_space<smem>>)
      tpu.yield
    }) : () -> ()
    %scan3A_17 = arith.constant 0 : i32
    %scan3A_18 = arith.constant 0 : i32
    %scan3A_19 = arith.constant 512 : i32
    %scan3A_20 = arith.addi %scan3A_18, %scan3A_19 : i32
    %scan3A_21 = arith.constant 1 : i32
    scf.for %scan3A_55 = %scan3A_18 to %scan3A_20 step %scan3A_21  : i32 {
      %get3A = arith.index_cast %scan3A_55 : i32 to index
      %get3A_56 = memref.load %arg5[%get3A] : memref<512xi32, #tpu.memory_space<smem>>
      %add3A_57 = arith.constant 1024 : i32
      %add3A_58 = arith.addi %add3A_57, %scan3A_55 : i32
      %dma_start3A_59 = arith.constant 0 : i32
      %dma_start3A_60 = tpu.memref_slice %arg6[%add3A_58, %dma_start3A_59] : memref<3072x64xf32, #tpu.memory_space<vmem_shared>> -> memref<1x16xf32, #tpu.memory_space<vmem_shared>>
      %dma_start3A_61 = tpu.memref_squeeze %dma_start3A_60 : memref<1x16xf32, #tpu.memory_space<vmem_shared>> -> memref<16xf32, #tpu.memory_space<vmem_shared>>
      tpu.enqueue_dma source(%arg3 : memref<16xf32, #tpu.memory_space<hbm>>) target(%dma_start3A_61 : memref<16xf32, #tpu.memory_space<vmem_shared>>) target_semaphore(%arg10 : memref<!tpu.dma_semaphore, #tpu.memory_space<semaphore_mem>>)
      %dma_start3A_62 = arith.constant 16 : i32
      %dma_start3A_63 = tpu.memref_slice %arg6[%add3A_58, %dma_start3A_62] : memref<3072x64xf32, #tpu.memory_space<vmem_shared>> -> memref<1x48xf32, #tpu.memory_space<vmem_shared>>
      %dma_start3A_64 = tpu.memref_squeeze %dma_start3A_63 : memref<1x48xf32, #tpu.memory_space<vmem_shared>> -> memref<48xf32, #tpu.memory_space<vmem_shared>>
      %dma_start3A_65 = arith.constant 16 : i32
      %dma_start3A_66 = tpu.memref_slice %arg2[%get3A_56, %dma_start3A_65] : memref<1000000x64xf32, #tpu.memory_space<hbm>> -> memref<1x48xf32, #tpu.memory_space<hbm>>
      %dma_start3A_67 = tpu.memref_squeeze %dma_start3A_66 : memref<1x48xf32, #tpu.memory_space<hbm>> -> memref<48xf32, #tpu.memory_space<hbm>>
      tpu.enqueue_dma source(%dma_start3A_67 : memref<48xf32, #tpu.memory_space<hbm>>) target(%dma_start3A_64 : memref<48xf32, #tpu.memory_space<vmem_shared>>) target_semaphore(%arg11 : memref<!tpu.dma_semaphore, #tpu.memory_space<semaphore_mem>>)
    }
    %scan3A_22 = arith.constant 512 : i32
    %add3A_23 = arith.constant 1536 : i32
    %add3A_24 = arith.addi %mul3A_0, %add3A_23 : i32
    "tpu.region"() ({
      %run_scoped3A = tpu.sem_alloc : memref<!tpu.dma_semaphore, #tpu.memory_space<semaphore_mem>>
      %dma_start3A_55 = tpu.memref_slice %arg1[%add3A_24] : memref<16384xi32, #tpu.memory_space<hbm>> -> memref<512xi32, #tpu.memory_space<hbm>>
      tpu.enqueue_dma source(%dma_start3A_55 : memref<512xi32, #tpu.memory_space<hbm>>) target(%arg5 : memref<512xi32, #tpu.memory_space<smem>>) target_semaphore(%run_scoped3A : memref<!tpu.dma_semaphore, #tpu.memory_space<semaphore_mem>>)
      %dma_wait3A_56 = tpu.memref_slice %arg1[%add3A_24] : memref<16384xi32, #tpu.memory_space<hbm>> -> memref<512xi32, #tpu.memory_space<hbm>>
      tpu.wait_dma2 semaphore(%run_scoped3A : memref<!tpu.dma_semaphore, #tpu.memory_space<semaphore_mem>>) src(%dma_wait3A_56 : memref<512xi32, #tpu.memory_space<hbm>>) dst(%arg5 : memref<512xi32, #tpu.memory_space<smem>>)
      tpu.yield
    }) : () -> ()
    %scan3A_25 = arith.constant 0 : i32
    %scan3A_26 = arith.constant 0 : i32
    %scan3A_27 = arith.constant 512 : i32
    %scan3A_28 = arith.addi %scan3A_26, %scan3A_27 : i32
    %scan3A_29 = arith.constant 1 : i32
    scf.for %scan3A_55 = %scan3A_26 to %scan3A_28 step %scan3A_29  : i32 {
      %get3A = arith.index_cast %scan3A_55 : i32 to index
      %get3A_56 = memref.load %arg5[%get3A] : memref<512xi32, #tpu.memory_space<smem>>
      %add3A_57 = arith.constant 1536 : i32
      %add3A_58 = arith.addi %add3A_57, %scan3A_55 : i32
      %dma_start3A_59 = arith.constant 0 : i32
      %dma_start3A_60 = tpu.memref_slice %arg6[%add3A_58, %dma_start3A_59] : memref<3072x64xf32, #tpu.memory_space<vmem_shared>> -> memref<1x16xf32, #tpu.memory_space<vmem_shared>>
      %dma_start3A_61 = tpu.memref_squeeze %dma_start3A_60 : memref<1x16xf32, #tpu.memory_space<vmem_shared>> -> memref<16xf32, #tpu.memory_space<vmem_shared>>
      tpu.enqueue_dma source(%arg3 : memref<16xf32, #tpu.memory_space<hbm>>) target(%dma_start3A_61 : memref<16xf32, #tpu.memory_space<vmem_shared>>) target_semaphore(%arg10 : memref<!tpu.dma_semaphore, #tpu.memory_space<semaphore_mem>>)
      %dma_start3A_62 = arith.constant 16 : i32
      %dma_start3A_63 = tpu.memref_slice %arg6[%add3A_58, %dma_start3A_62] : memref<3072x64xf32, #tpu.memory_space<vmem_shared>> -> memref<1x48xf32, #tpu.memory_space<vmem_shared>>
      %dma_start3A_64 = tpu.memref_squeeze %dma_start3A_63 : memref<1x48xf32, #tpu.memory_space<vmem_shared>> -> memref<48xf32, #tpu.memory_space<vmem_shared>>
      %dma_start3A_65 = arith.constant 16 : i32
      %dma_start3A_66 = tpu.memref_slice %arg2[%get3A_56, %dma_start3A_65] : memref<1000000x64xf32, #tpu.memory_space<hbm>> -> memref<1x48xf32, #tpu.memory_space<hbm>>
      %dma_start3A_67 = tpu.memref_squeeze %dma_start3A_66 : memref<1x48xf32, #tpu.memory_space<hbm>> -> memref<48xf32, #tpu.memory_space<hbm>>
      tpu.enqueue_dma source(%dma_start3A_67 : memref<48xf32, #tpu.memory_space<hbm>>) target(%dma_start3A_64 : memref<48xf32, #tpu.memory_space<vmem_shared>>) target_semaphore(%arg11 : memref<!tpu.dma_semaphore, #tpu.memory_space<semaphore_mem>>)
    }
    %scan3A_30 = arith.constant 512 : i32
    %add3A_31 = arith.constant 2048 : i32
    %add3A_32 = arith.addi %mul3A_0, %add3A_31 : i32
    "tpu.region"() ({
      %run_scoped3A = tpu.sem_alloc : memref<!tpu.dma_semaphore, #tpu.memory_space<semaphore_mem>>
      %dma_start3A_55 = tpu.memref_slice %arg1[%add3A_32] : memref<16384xi32, #tpu.memory_space<hbm>> -> memref<512xi32, #tpu.memory_space<hbm>>
      tpu.enqueue_dma source(%dma_start3A_55 : memref<512xi32, #tpu.memory_space<hbm>>) target(%arg5 : memref<512xi32, #tpu.memory_space<smem>>) target_semaphore(%run_scoped3A : memref<!tpu.dma_semaphore, #tpu.memory_space<semaphore_mem>>)
      %dma_wait3A_56 = tpu.memref_slice %arg1[%add3A_32] : memref<16384xi32, #tpu.memory_space<hbm>> -> memref<512xi32, #tpu.memory_space<hbm>>
      tpu.wait_dma2 semaphore(%run_scoped3A : memref<!tpu.dma_semaphore, #tpu.memory_space<semaphore_mem>>) src(%dma_wait3A_56 : memref<512xi32, #tpu.memory_space<hbm>>) dst(%arg5 : memref<512xi32, #tpu.memory_space<smem>>)
      tpu.yield
    }) : () -> ()
    %scan3A_33 = arith.constant 0 : i32
    %scan3A_34 = arith.constant 0 : i32
    %scan3A_35 = arith.constant 512 : i32
    %scan3A_36 = arith.addi %scan3A_34, %scan3A_35 : i32
    %scan3A_37 = arith.constant 1 : i32
    scf.for %scan3A_55 = %scan3A_34 to %scan3A_36 step %scan3A_37  : i32 {
      %get3A = arith.index_cast %scan3A_55 : i32 to index
      %get3A_56 = memref.load %arg5[%get3A] : memref<512xi32, #tpu.memory_space<smem>>
      %add3A_57 = arith.constant 2048 : i32
      %add3A_58 = arith.addi %add3A_57, %scan3A_55 : i32
      %dma_start3A_59 = arith.constant 0 : i32
      %dma_start3A_60 = tpu.memref_slice %arg6[%add3A_58, %dma_start3A_59] : memref<3072x64xf32, #tpu.memory_space<vmem_shared>> -> memref<1x16xf32, #tpu.memory_space<vmem_shared>>
      %dma_start3A_61 = tpu.memref_squeeze %dma_start3A_60 : memref<1x16xf32, #tpu.memory_space<vmem_shared>> -> memref<16xf32, #tpu.memory_space<vmem_shared>>
      tpu.enqueue_dma source(%arg3 : memref<16xf32, #tpu.memory_space<hbm>>) target(%dma_start3A_61 : memref<16xf32, #tpu.memory_space<vmem_shared>>) target_semaphore(%arg10 : memref<!tpu.dma_semaphore, #tpu.memory_space<semaphore_mem>>)
      %dma_start3A_62 = arith.constant 16 : i32
      %dma_start3A_63 = tpu.memref_slice %arg6[%add3A_58, %dma_start3A_62] : memref<3072x64xf32, #tpu.memory_space<vmem_shared>> -> memref<1x48xf32, #tpu.memory_space<vmem_shared>>
      %dma_start3A_64 = tpu.memref_squeeze %dma_start3A_63 : memref<1x48xf32, #tpu.memory_space<vmem_shared>> -> memref<48xf32, #tpu.memory_space<vmem_shared>>
      %dma_start3A_65 = arith.constant 16 : i32
      %dma_start3A_66 = tpu.memref_slice %arg2[%get3A_56, %dma_start3A_65] : memref<1000000x64xf32, #tpu.memory_space<hbm>> -> memref<1x48xf32, #tpu.memory_space<hbm>>
      %dma_start3A_67 = tpu.memref_squeeze %dma_start3A_66 : memref<1x48xf32, #tpu.memory_space<hbm>> -> memref<48xf32, #tpu.memory_space<hbm>>
      tpu.enqueue_dma source(%dma_start3A_67 : memref<48xf32, #tpu.memory_space<hbm>>) target(%dma_start3A_64 : memref<48xf32, #tpu.memory_space<vmem_shared>>) target_semaphore(%arg11 : memref<!tpu.dma_semaphore, #tpu.memory_space<semaphore_mem>>)
    }
    %scan3A_38 = arith.constant 512 : i32
    %add3A_39 = arith.constant 2560 : i32
    %add3A_40 = arith.addi %mul3A_0, %add3A_39 : i32
    "tpu.region"() ({
      %run_scoped3A = tpu.sem_alloc : memref<!tpu.dma_semaphore, #tpu.memory_space<semaphore_mem>>
      %dma_start3A_55 = tpu.memref_slice %arg1[%add3A_40] : memref<16384xi32, #tpu.memory_space<hbm>> -> memref<512xi32, #tpu.memory_space<hbm>>
      tpu.enqueue_dma source(%dma_start3A_55 : memref<512xi32, #tpu.memory_space<hbm>>) target(%arg5 : memref<512xi32, #tpu.memory_space<smem>>) target_semaphore(%run_scoped3A : memref<!tpu.dma_semaphore, #tpu.memory_space<semaphore_mem>>)
      %dma_wait3A_56 = tpu.memref_slice %arg1[%add3A_40] : memref<16384xi32, #tpu.memory_space<hbm>> -> memref<512xi32, #tpu.memory_space<hbm>>
      tpu.wait_dma2 semaphore(%run_scoped3A : memref<!tpu.dma_semaphore, #tpu.memory_space<semaphore_mem>>) src(%dma_wait3A_56 : memref<512xi32, #tpu.memory_space<hbm>>) dst(%arg5 : memref<512xi32, #tpu.memory_space<smem>>)
      tpu.yield
    }) : () -> ()
    %scan3A_41 = arith.constant 0 : i32
    %scan3A_42 = arith.constant 0 : i32
    %scan3A_43 = arith.constant 512 : i32
    %scan3A_44 = arith.addi %scan3A_42, %scan3A_43 : i32
    %scan3A_45 = arith.constant 1 : i32
    scf.for %scan3A_55 = %scan3A_42 to %scan3A_44 step %scan3A_45  : i32 {
      %get3A = arith.index_cast %scan3A_55 : i32 to index
      %get3A_56 = memref.load %arg5[%get3A] : memref<512xi32, #tpu.memory_space<smem>>
      %add3A_57 = arith.constant 2560 : i32
      %add3A_58 = arith.addi %add3A_57, %scan3A_55 : i32
      %dma_start3A_59 = arith.constant 0 : i32
      %dma_start3A_60 = tpu.memref_slice %arg6[%add3A_58, %dma_start3A_59] : memref<3072x64xf32, #tpu.memory_space<vmem_shared>> -> memref<1x16xf32, #tpu.memory_space<vmem_shared>>
      %dma_start3A_61 = tpu.memref_squeeze %dma_start3A_60 : memref<1x16xf32, #tpu.memory_space<vmem_shared>> -> memref<16xf32, #tpu.memory_space<vmem_shared>>
      tpu.enqueue_dma source(%arg3 : memref<16xf32, #tpu.memory_space<hbm>>) target(%dma_start3A_61 : memref<16xf32, #tpu.memory_space<vmem_shared>>) target_semaphore(%arg10 : memref<!tpu.dma_semaphore, #tpu.memory_space<semaphore_mem>>)
      %dma_start3A_62 = arith.constant 16 : i32
      %dma_start3A_63 = tpu.memref_slice %arg6[%add3A_58, %dma_start3A_62] : memref<3072x64xf32, #tpu.memory_space<vmem_shared>> -> memref<1x48xf32, #tpu.memory_space<vmem_shared>>
      %dma_start3A_64 = tpu.memref_squeeze %dma_start3A_63 : memref<1x48xf32, #tpu.memory_space<vmem_shared>> -> memref<48xf32, #tpu.memory_space<vmem_shared>>
      %dma_start3A_65 = arith.constant 16 : i32
      %dma_start3A_66 = tpu.memref_slice %arg2[%get3A_56, %dma_start3A_65] : memref<1000000x64xf32, #tpu.memory_space<hbm>> -> memref<1x48xf32, #tpu.memory_space<hbm>>
      %dma_start3A_67 = tpu.memref_squeeze %dma_start3A_66 : memref<1x48xf32, #tpu.memory_space<hbm>> -> memref<48xf32, #tpu.memory_space<hbm>>
      tpu.enqueue_dma source(%dma_start3A_67 : memref<48xf32, #tpu.memory_space<hbm>>) target(%dma_start3A_64 : memref<48xf32, #tpu.memory_space<vmem_shared>>) target_semaphore(%arg11 : memref<!tpu.dma_semaphore, #tpu.memory_space<semaphore_mem>>)
    }
    %scan3A_46 = arith.constant 512 : i32
    %scan3A_47 = arith.constant 0 : i32
    %scan3A_48 = arith.constant 0 : i32
    %scan3A_49 = arith.constant 3072 : i32
    %scan3A_50 = arith.addi %scan3A_48, %scan3A_49 : i32
    %scan3A_51 = arith.constant 1 : i32
    scf.for %scan3A_55 = %scan3A_48 to %scan3A_50 step %scan3A_51  : i32 {
      %dma_wait3A_56 = arith.constant 0 : i32
      %dma_wait3A_57 = tpu.memref_slice %arg6[%scan3A_55, %dma_wait3A_56] : memref<3072x64xf32, #tpu.memory_space<vmem_shared>> -> memref<1x16xf32, #tpu.memory_space<vmem_shared>>
      %dma_wait3A_58 = tpu.memref_squeeze %dma_wait3A_57 : memref<1x16xf32, #tpu.memory_space<vmem_shared>> -> memref<16xf32, #tpu.memory_space<vmem_shared>>
      tpu.wait_dma2 semaphore(%arg10 : memref<!tpu.dma_semaphore, #tpu.memory_space<semaphore_mem>>) src(%arg3 : memref<16xf32, #tpu.memory_space<hbm>>) dst(%dma_wait3A_58 : memref<16xf32, #tpu.memory_space<vmem_shared>>)
      %dma_wait3A_59 = arith.constant 0 : i32
      %dma_wait3A_60 = arith.constant 16 : i32
      %dma_wait3A_61 = tpu.memref_slice %arg6[%scan3A_55, %dma_wait3A_60] : memref<3072x64xf32, #tpu.memory_space<vmem_shared>> -> memref<1x48xf32, #tpu.memory_space<vmem_shared>>
      %dma_wait3A_62 = tpu.memref_squeeze %dma_wait3A_61 : memref<1x48xf32, #tpu.memory_space<vmem_shared>> -> memref<48xf32, #tpu.memory_space<vmem_shared>>
      %dma_wait3A_63 = arith.constant 16 : i32
      %dma_wait3A_64 = tpu.memref_slice %arg2[%dma_wait3A_59, %dma_wait3A_63] : memref<1000000x64xf32, #tpu.memory_space<hbm>> -> memref<1x48xf32, #tpu.memory_space<hbm>>
      %dma_wait3A_65 = tpu.memref_squeeze %dma_wait3A_64 : memref<1x48xf32, #tpu.memory_space<hbm>> -> memref<48xf32, #tpu.memory_space<hbm>>
      tpu.wait_dma2 semaphore(%arg11 : memref<!tpu.dma_semaphore, #tpu.memory_space<semaphore_mem>>) src(%dma_wait3A_65 : memref<48xf32, #tpu.memory_space<hbm>>) dst(%dma_wait3A_62 : memref<48xf32, #tpu.memory_space<vmem_shared>>)
    }
    %scan3A_52 = arith.constant 3072 : i32
    %dma_start3A = arith.constant 0 : i32
    %dma_start3A_53 = tpu.memref_slice %arg4[%mul3A_0, %dma_start3A] : memref<16384x64xf32, #tpu.memory_space<hbm>> -> memref<3072x64xf32, #tpu.memory_space<hbm>>
    tpu.enqueue_dma source(%arg6 : memref<3072x64xf32, #tpu.memory_space<vmem_shared>>) target(%dma_start3A_53 : memref<3072x64xf32, #tpu.memory_space<hbm>>) target_semaphore(%arg12 : memref<!tpu.dma_semaphore, #tpu.memory_space<semaphore_mem>>)
    %dma_wait3A = arith.constant 0 : i32
    %dma_wait3A_54 = tpu.memref_slice %arg4[%mul3A_0, %dma_wait3A] : memref<16384x64xf32, #tpu.memory_space<hbm>> -> memref<3072x64xf32, #tpu.memory_space<hbm>>
    tpu.wait_dma2 semaphore(%arg12 : memref<!tpu.dma_semaphore, #tpu.memory_space<semaphore_mem>>) src(%arg6 : memref<3072x64xf32, #tpu.memory_space<vmem_shared>>) dst(%dma_wait3A_54 : memref<3072x64xf32, #tpu.memory_space<hbm>>)
    return
  }
}

</mosaic_0001>

<sc_bundles>
// kernel: kernel.3.cloned.1.call-start
scs
__scs_entry_jumppad:
0x0: {  	(pc) =	sbr.rel $0x88, $3  }
0x1: {  	(tag) =	ssettag $0x0;
	lr =	simm.s32 $0x1  }
0x2: {  	[smem:$0x3F9E] =	sst lr;
	_ =	strace $0xD0000000  }
0x3: {  	_ = 	snop  }
0x4: {  	_ = 	snop  }
0x5: {  	_ = 	snop  }
0x6: {  	_ = 	snop  }
0x7: {  	_ = 	snop  }
__scs_overlays_trampoline_lowered:
0x8: {  	[smem:$0x3FAD] =	sst s0  }
0x9: {  	[smem:$0x3FAE] =	sst s1  }
0xa: {  	[smem:$0x3FAF] =	sst s2  }
0xb: {  	[smem:$0x3FB0] =	sst s3  }
0xc: {  	[smem:$0x3FB1] =	sst s4  }
0xd: {  	[smem:$0x3FB2] =	sst s5  }
0xe: {  	[smem:$0x3FB3] =	sst s6  }
0xf: {  	[smem:$0x3FB4] =	sst s7  }
0x10: {  	[smem:$0x3FB5] =	sst s8  }
0x11: {  	[smem:$0x3FB6] =	sst s9;
	s0 =	simm.s32 @!p0 $0x0  }
0x12: {  	s1 =	sld [smem:$0x3F9C];
	s0 =	simm.s32 @p0 $0x1  }
0x13: {  	[smem:$0x3FB7] =	sst s0;
	s0 =	simm.s32 @!p1 $0x0  }
0x14: {  	s2 =	sld [smem:$0x3F9B];
	s0 =	simm.s32 @p1 $0x1  }
0x15: {  	[smem:$0x3FB8] =	sst s0;
	s0 =	simm.s32 @!p2 $0x0  }
0x16: {  	s3 =	sld [smem:$0x3FDB];
	s0 =	simm.s32 @p2 $0x1  }
0x17: {  	s4 =	simm.s32 $0x1BF5;
	[smem:$0x3FBA] =	sst s0  }
0x18: {  	s0 =	sld [smem:$0x3F9D];
	_ =	swait.ge [sflag:s4], $0x0  }
0x19: {  	s7 =	sld [smem:$0x3F9E]  }
0x1a: {  	s8 =	sadd.s32 $0xFFFFE003, lr  }
0x1b: {  	s9 =	sadd.s32 $0xFFFFFEF7, lr;
	s5 =	simm.s32 $0xFFFFFFFF;
	p2 =	slt.u32 s8, $0xFFFFF086  }
0x1c: {  	p1 =	slt.u32 s9, $0xF7A;
	s5 =	simm.s32 @!p2 $0x0  }
0x1d: {  	s5 =	simm.s32 @p1 $0x1;
	p0 =	seq.s32 s7, s2  }
0x1e: {  	s7 =	smul.u32 @!p0 $0xF7A, s2;
	p2 =	seq.s32 @!p0 s5, $0x0  }
0x1f: {  	s9 =	smul.u32 $0xF7A, s1;
	s8 =	simm.s32 @!p0 $0x1BF5;
	p2 =	por !p2, p0  }
0x20: {  	[sflag:s8] =	ssyncset.s32 @!p0 $0xFFFFF086;
	s6 =	sadd.s32 @!p0 s3, s7;
	s7 =	simm.s32 @!p0 $0x108  }
0x21: {  	s3 =	sadd.s32 s3, s9;
	s6 =	sadd.s32 @!p0 $0x88, s6;
	s7 =	simm.s32 @p2 $0x1082  }
0x22: {  	[simem:s7], [sflag:s8] =	dma.local @!p0 [hbm:s6], $0xF7A  }
0x23: {  	s9 =	sor.u32 $0xD0000000, s2;
	s6 =	simm.s32 $0x108;
	_ =	swait.ge @!p0 [sflag:s8], $0x0  }
0x24: {  	s3 =	sadd.s32 $0x88, s3;
	s6 =	simm.s32 @!p1 $0x1082;
	[sflag:s4] =	ssyncset.s32 $0xFFFFF086  }
0x25: {  	[simem:s6], [sflag:s4] =	dma.local [hbm:s3], $0xF7A  }
0x26: {  	[smem:$0x3F9E] =	sst s1;
	(tag) =	ssettag s2;
	_ =	strace s9  }
0x27: {  	s1 =	sld [smem:$0x3FAE]  }
0x28: {  	s2 =	sld [smem:$0x3FAF]  }
0x29: {  	s4 =	sld [smem:$0x3FB1]  }
0x2a: {  	p0 =	seq.s32 s5, $0x0;
	s5 =	sld [smem:$0x3FB2]  }
0x2b: {  	s6 =	sld [smem:$0x3FB3]  }
0x2c: {  	s7 =	sld [smem:$0x3FB4]  }
0x2d: {  	s3 =	simm.s32 $0x108;
	s8 =	sld [smem:$0x3FB5]  }
0x2e: {  	s3 =	simm.s32 @!p0 $0x1082;
	s9 =	sld [smem:$0x3FB6]  }
0x2f: {  	lr =	sadd.s32 s0, s3;
	s0 =	sld [smem:$0x3FAD]  }
0x30: {  	s3 =	sld [smem:$0x3FB0]  }
0x31: {  	[smem:$0x3FB9] =	sst s10  }
0x32: {  	s10 =	sld [smem:$0x3FB7];
	_ =	sdelay $0x3  }
0x33: {  	p0 =	seq.s32 s10, $0x1;
	s10 =	sld [smem:$0x3FB9];
	_ =	sdelay $0x3  }
0x34: {  	[smem:$0x3FB9] =	sst s10  }
0x35: {  	s10 =	sld [smem:$0x3FB8];
	_ =	sdelay $0x3  }
0x36: {  	p1 =	seq.s32 s10, $0x1;
	s10 =	sld [smem:$0x3FB9];
	_ =	sdelay $0x3  }
0x37: {  	[smem:$0x3FB9] =	sst s10  }
0x38: {  	s10 =	sld [smem:$0x3FBA]  }
0x39: {  	_ = 	snop;
	(pc) =	sbr.ind lr, $3  }
0x3a: {  	_ = 	snop  }
0x3b: {  	_ = 	snop  }
0x3c: {  	p2 =	seq.s32 s10, $0x1;
	s10 =	sld [smem:$0x3FB9]  }
0x3d: {  	_ =	shalt  }
0x3e: {  	_ =	shalt  }
0x3f: {  	_ =	shalt  }
0x40: {  	_ =	shalt  }
0x41: {  	_ =	shalt  }
0x42: {  	_ =	shalt  }
0x43: {  	_ =	shalt  }
0x44: {  	_ =	shalt  }
0x45: {  	_ =	shalt  }
0x46: {  	_ =	shalt  }
0x47: {  	_ =	shalt  }
0x48: {  	_ =	shalt  }
0x49: {  	_ =	shalt  }
0x4a: {  	_ =	shalt  }
0x4b: {  	_ =	shalt  }
0x4c: {  	_ =	shalt  }
0x4d: {  	_ =	shalt  }
0x4e: {  	_ =	shalt  }
0x4f: {  	_ =	shalt  }
0x50: {  	_ =	shalt  }
0x51: {  	_ =	shalt  }
0x52: {  	_ =	shalt  }
0x53: {  	_ =	shalt  }
0x54: {  	_ =	shalt  }
0x55: {  	_ =	shalt  }
0x56: {  	_ =	shalt  }
0x57: {  	_ =	shalt  }
0x58: {  	_ =	shalt  }
0x59: {  	_ =	shalt  }
0x5a: {  	_ =	shalt  }
0x5b: {  	_ =	shalt  }
0x5c: {  	_ =	shalt  }
0x5d: {  	_ =	shalt  }
0x5e: {  	_ =	shalt  }
0x5f: {  	_ =	shalt  }
0x60: {  	_ =	shalt  }
0x61: {  	_ =	shalt  }
0x62: {  	_ =	shalt  }
0x63: {  	_ =	shalt  }
0x64: {  	_ =	shalt  }
0x65: {  	_ =	shalt  }
0x66: {  	_ =	shalt  }
0x67: {  	_ =	shalt  }
0x68: {  	_ =	shalt  }
0x69: {  	_ =	shalt  }
0x6a: {  	_ =	shalt  }
0x6b: {  	_ =	shalt  }
0x6c: {  	_ =	shalt  }
0x6d: {  	_ =	shalt  }
0x6e: {  	_ =	shalt  }
0x6f: {  	_ =	shalt  }
0x70: {  	_ =	shalt  }
0x71: {  	_ =	shalt  }
0x72: {  	_ =	shalt  }
0x73: {  	_ =	shalt  }
0x74: {  	_ =	shalt  }
0x75: {  	_ =	shalt  }
0x76: {  	_ =	shalt  }
0x77: {  	_ =	shalt  }
0x78: {  	_ =	shalt  }
0x79: {  	_ =	shalt  }
0x7a: {  	_ =	shalt  }
0x7b: {  	_ =	shalt  }
0x7c: {  	_ =	shalt  }
0x7d: {  	_ =	shalt  }
0x7e: {  	_ =	shalt  }
0x7f: {  	_ =	shalt  }
0x80: {  	_ =	shalt  }
0x81: {  	_ =	shalt  }
0x82: {  	_ =	shalt  }
0x83: {  	_ =	shalt  }
0x84: {  	_ =	shalt  }
0x85: {  	_ =	shalt  }
0x86: {  	_ =	shalt  }
0x87: {  	_ =	shalt  }
.Lfunc_end0:
.L_simem_size_0:
called_computation_lowered:
.L_overlay_start_0:
0x88: {  	s2 =	sld [smem:$0x3FD9]  }
0x89: {  	s3 =	sld [smem:$0x3FFE];
	_ =	sdelay $0x1  }
0x8a: {  	s1 =	srdreg.scid  }
0x8b: {  	s0 =	sand.u32 $0x1, s1  }
0x8c: {  	s19 =	sshll.u32 s0, $0xA;
	s2 =	sadd.s32 s3, s2  }
0x8d: {  	s2 =	sadd.s32 s2, s19  }
0x8e: {  	s9 =	simm.s32 $0x0;
	[smem:$0x3FC5] =	sst s2  }
0x8f: {  	[smem:$0xF] =	sst s9  }
0x90: {  	s8 =	sld [smem:$0x3FC9]  }
0x91: {  	s2 =	sld [smem:$0x3FC7];
	(tm) =	ssettm $0x1  }
0x92: {  	s20 =	sld [smem:$0x3FFB];
	_ =	sdelay $0x3  }
0x93: {  	_ =	strace s20  }
0x94: {  	s3 =	sld [smem:$0x3FFC];
	_ =	sdelay $0x3  }
0x95: {  	_ =	strace s3  }
0x96: {  	s3 =	sld [smem:$0x3FFD];
	_ =	sdelay $0x3  }
0x97: {  	_ =	strace s3  }
0x98: {  	_ =	strace $0x8FFFFFFF  }
0x99: {  	s21 =	sld [smem:$0x3FDB];
	_ =	sdelay $0x2  }
0x9a: {  	s4 =	simm.s32 $_scs_section_size;
	s5 =	simm.s32 $_tile_overlayer_lowered  }
0x9b: {  	s22 =	simm.s32 $_size__tile_overlayer_lowered;
	s5 =	sshll.u32 s5, $0x1;
	s3 =	sadd.s32 s4, s21  }
0x9c: {  	s6 =	simm.s32 $0x1BFF;
	s4 =	sshll.u32 s22, $0x1;
	s5 =	sadd.s32 s5, s3  }
0x9d: {  	[timem:s9], [sflag:s6] =	dma.local [hbm:s5], s4  }
0x9e: {  	_ =	swait.ge [sflag:s6], s4  }
0x9f: {  	s4 =	ssub.s32 $0x0, s4;
	[sflag:s6] =	ssyncset.done $0x0  }
0xa0: {  	[sflag:s6] =	ssyncadd.s32 s4;
	_ =	sdelay $0x1  }
0xa1: {  	s23 =	simm.s32 $0x1B8B  }
0xa2: {  	_ =	swait.ge [sflag:s23], $0x1  }
0xa3: {  	[sflag:s23] =	ssyncset.done $0x0  }
0xa4: {  	s24 =	simm.s32 $0x1B8E;
	s10 =	sld [smem:$0x3FFE];
	[sflag:s23] =	ssyncadd.s32 $0xFFFFFFFF  }
0xa5: {  	s25 =	simm.s32 $execute0_lowered;
	[smem:$0x3FD2] =	sst s24  }
0xa6: {  	s4 =	sshll.u32 s25, $0x1;
	_ =	strace $0x80000046;
	[dreg:$0x1] =	wrdreg $0xFFFFFFFF  }
0xa7: {  	s26 =	simm.s32 $_size_execute0_lowered;
	s3 =	sadd.s32 s3, s4;
	[dreg:$0x0] =	wrdreg $0x0  }
0xa8: {  	s4 =	sshll.u32 s26, $0x1;
	[dreg:$0x2] =	wrdreg s3  }
0xa9: {  	[dreg:$0x3] =	wrdreg s4  }
0xaa: {  	[dreg:$0x4] =	wrdreg $0xC0  }
0xab: {  	_ =	task [dreg:s9], $0x5FFFF  }
0xac: {  	[dreg:$0x1] =	wrdreg $0xFFFFFFFF  }
0xad: {  	[dreg:$0x0] =	wrdreg $0x60  }
0xae: {  	[dreg:$0x2] =	wrdreg s8  }
0xaf: {  	[dreg:$0x3] =	wrdreg s10  }
0xb0: {  	s28 =	smul.u32 $0x180, s0;
	[dreg:$0x4] =	wrdreg s2  }
0xb1: {  	s7 =	simm.s32 $0xD;
	[dreg:$0x5] =	wrdreg $0x9  }
0xb2: {  	s29 =	simm.s32 $0x10;
	s3 =	sadd.s32 s28, s8;
	_ =	task.clear_ibuf [dreg:s9], $0x6FFFF  }
0xb3: {  	[smem:s29], [sflag:s7] =	dma.local [hbm:s3], $0x40  }
0xb4: {  	_ =	swait.ge [sflag:s7], $0x40  }
0xb5: {  	[sflag:s7] =	ssyncset.done $0x0  }
0xb6: {  	[sflag:s7] =	ssyncadd.s32 $0xFFFFFFC0  }
0xb7: {  	s30 =	sld [smem:$0x10];
	_ =	sdelay $0x1  }
0xb8: {  	s31 =	simm.s32 $0x0;
	s5 =	simm.s32 $0xA  }
0xb9: {  	[spmem:s31], [sflag:s5] =	dma.local [hbm:s2], $0x2  }
0xba: {  	s3 =	sshll.u32 s30, $0x4  }
0xbb: {  	s4 =	sadd.s32 $0x400, s10;
	s3 =	sand.u32 $0x1FFFFFF0, s3  }
0xbc: {  	s3 =	sadd.s32 s3, s4  }
0xbd: {  	s11 =	simm.s32 $0x2;
	s6 =	simm.s32 $0xB;
	s3 =	sadd.s32 $0x2, s3  }
0xbe: {  	[spmem:s11], [sflag:s6] =	dma.local [hbm:s3], $0x6  }
0xbf: {  	s3 =	sadd.s32 $0xF42800, s10;
	s10 =	simm.s32 $0x8;
	s11 =	sld [smem:$0x11]  }
.LBB1_1:
0xc0: {  	p0 =	sne.s32 s10, $0x7FC;
	s9 =	sadd.s32 $0x80, s9  }
0xc1: {  	s12 =	sshrl.u32 s9, $0x3  }
0xc2: {  	[spmem:s12], [sflag:s5] =	dma.local [hbm:s2], $0x2  }
0xc3: {  	s11 =	sshll.u32 s11, $0x4  }
0xc4: {  	s11 =	sand.u32 $0x1FFFFFF0, s11  }
.Ltmp0:
0xc5: {  	s12 =	sadd.s32 $0x10, s9;
	s11 =	sadd.s32 s11, s4;
	(pc) =	sbr.rel @p0 .LBB1_1-.Ltmp0, $3  }
0xc6: {  	s13 =	sshra.s32 s10, $0x2;
	s12 =	sshrl.u32 s12, $0x3;
	s11 =	sadd.s32 $0x2, s11  }
0xc7: {  	[spmem:s12], [sflag:s6] =	dma.local [hbm:s11], $0x6  }
0xc8: {  	s10 =	sadd.s32 $0x4, s10;
	s11 =	sld [smem:s13+$0x10]  }
0xc9: {  	s9 =	sadd.s32 $0x80, s9  }
0xca: {  	s10 =	sshrl.u32 s9, $0x3  }
0xcb: {  	[spmem:s10], [sflag:s5] =	dma.local [hbm:s2], $0x2  }
0xcc: {  	s24 =	sshll.u32 s11, $0x4  }
0xcd: {  	s10 =	sand.u32 $0x1FFFFFF0, s24  }
0xce: {  	s9 =	sadd.s32 $0x10, s9;
	s10 =	sadd.s32 s10, s4  }
0xcf: {  	s25 =	smul.u32 $0xC00, s0;
	s9 =	sshrl.u32 s9, $0x3;
	s10 =	sadd.s32 $0x2, s10  }
0xd0: {  	[spmem:s9], [sflag:s6] =	dma.local [hbm:s10], $0x6  }
0xd1: {  	s9 =	sshrl.u32 s25, $0x3  }
0xd2: {  	s26 =	sadd.s32 s9, s8  }
0xd3: {  	s28 =	simm.s32 $0x10;
	s29 =	simm.s32 $0xD;
	s10 =	sadd.s32 $0x40, s26  }
0xd4: {  	[smem:s28], [sflag:s7] =	dma.local [hbm:s10], $0x40  }
0xd5: {  	_ =	swait.ge [sflag:s29], $0x40  }
0xd6: {  	[sflag:s29] =	ssyncset.done $0x0  }
0xd7: {  	[sflag:s29] =	ssyncadd.s32 $0xFFFFFFC0  }
0xd8: {  	s10 =	sld [smem:$0x10];
	_ =	sdelay $0x1  }
0xd9: {  	s30 =	simm.s32 $0x2000  }
0xda: {  	[spmem:s30], [sflag:s5] =	dma.local [hbm:s2], $0x2  }
0xdb: {  	s10 =	sshll.u32 s10, $0x4  }
0xdc: {  	s10 =	sand.u32 $0x1FFFFFF0, s10  }
0xdd: {  	s10 =	sadd.s32 s10, s4  }
0xde: {  	s31 =	simm.s32 $0x2002;
	s10 =	sadd.s32 $0x2, s10  }
0xdf: {  	[spmem:s31], [sflag:s6] =	dma.local [hbm:s10], $0x6  }
0xe0: {  	s11 =	simm.s32 $0x8;
	s10 =	simm.s32 $0x10000;
	s12 =	sld [smem:$0x11]  }
.LBB1_3:
0xe1: {  	p0 =	sne.s32 s11, $0x7FC;
	s10 =	sadd.s32 $0x80, s10  }
0xe2: {  	s13 =	sshrl.u32 s10, $0x3  }
0xe3: {  	[spmem:s13], [sflag:s5] =	dma.local [hbm:s2], $0x2  }
0xe4: {  	s12 =	sshll.u32 s12, $0x4  }
0xe5: {  	s12 =	sand.u32 $0x1FFFFFF0, s12  }
.Ltmp1:
0xe6: {  	s13 =	sadd.s32 $0x10, s10;
	s12 =	sadd.s32 s12, s4;
	(pc) =	sbr.rel @p0 .LBB1_3-.Ltmp1, $3  }
0xe7: {  	s14 =	sshra.s32 s11, $0x2;
	s13 =	sshrl.u32 s13, $0x3;
	s12 =	sadd.s32 $0x2, s12  }
0xe8: {  	[spmem:s13], [sflag:s6] =	dma.local [hbm:s12], $0x6  }
0xe9: {  	s11 =	sadd.s32 $0x4, s11;
	s12 =	sld [smem:s14+$0x10]  }
0xea: {  	s10 =	sadd.s32 $0x80, s10  }
0xeb: {  	s11 =	sshrl.u32 s10, $0x3  }
0xec: {  	[spmem:s11], [sflag:s5] =	dma.local [hbm:s2], $0x2  }
0xed: {  	s26 =	sshll.u32 s12, $0x4  }
0xee: {  	s8 =	sadd.s32 s8, s9;
	s28 =	simm.s32 $0x10;
	s11 =	sand.u32 $0x1FFFFFF0, s26  }
0xef: {  	s29 =	simm.s32 $0xD;
	s10 =	sadd.s32 $0x10, s10;
	s11 =	sadd.s32 s11, s4  }
0xf0: {  	s9 =	sadd.s32 $0x80, s8;
	s10 =	sshrl.u32 s10, $0x3;
	s11 =	sadd.s32 $0x2, s11  }
0xf1: {  	[spmem:s10], [sflag:s6] =	dma.local [hbm:s11], $0x6  }
0xf2: {  	[smem:s28], [sflag:s7] =	dma.local [hbm:s9], $0x40  }
0xf3: {  	_ =	swait.ge [sflag:s29], $0x40  }
0xf4: {  	[sflag:s29] =	ssyncset.done $0x0  }
0xf5: {  	[sflag:s29] =	ssyncadd.s32 $0xFFFFFFC0  }
0xf6: {  	s9 =	sld [smem:$0x10];
	_ =	sdelay $0x1  }
0xf7: {  	s30 =	simm.s32 $0x4000  }
0xf8: {  	[spmem:s30], [sflag:s5] =	dma.local [hbm:s2], $0x2  }
0xf9: {  	s9 =	sshll.u32 s9, $0x4  }
0xfa: {  	s9 =	sand.u32 $0x1FFFFFF0, s9  }
0xfb: {  	s9 =	sadd.s32 s9, s4  }
0xfc: {  	s31 =	simm.s32 $0x4002;
	s9 =	sadd.s32 $0x2, s9  }
0xfd: {  	[spmem:s31], [sflag:s6] =	dma.local [hbm:s9], $0x6  }
0xfe: {  	s10 =	simm.s32 $0x8;
	s9 =	simm.s32 $0x20000;
	s11 =	sld [smem:$0x11]  }
.LBB1_5:
0xff: {  	p0 =	sne.s32 s10, $0x7FC;
	s9 =	sadd.s32 $0x80, s9  }
0x100: {  	s12 =	sshrl.u32 s9, $0x3  }
0x101: {  	[spmem:s12], [sflag:s5] =	dma.local [hbm:s2], $0x2  }
0x102: {  	s11 =	sshll.u32 s11, $0x4  }
0x103: {  	s11 =	sand.u32 $0x1FFFFFF0, s11  }
.Ltmp2:
0x104: {  	s12 =	sadd.s32 $0x10, s9;
	s11 =	sadd.s32 s11, s4;
	(pc) =	sbr.rel @p0 .LBB1_5-.Ltmp2, $3  }
0x105: {  	s13 =	sshra.s32 s10, $0x2;
	s12 =	sshrl.u32 s12, $0x3;
	s11 =	sadd.s32 $0x2, s11  }
0x106: {  	[spmem:s12], [sflag:s6] =	dma.local [hbm:s11], $0x6  }
0x107: {  	s10 =	sadd.s32 $0x4, s10;
	s11 =	sld [smem:s13+$0x10]  }
0x108: {  	s9 =	sadd.s32 $0x80, s9  }
0x109: {  	s10 =	sshrl.u32 s9, $0x3  }
0x10a: {  	[spmem:s10], [sflag:s5] =	dma.local [hbm:s2], $0x2  }
0x10b: {  	s25 =	sshll.u32 s11, $0x4  }
0x10c: {  	s26 =	sadd.s32 $0xC0, s8;
	s10 =	sand.u32 $0x1FFFFFF0, s25  }
0x10d: {  	s28 =	simm.s32 $0x10;
	s9 =	sadd.s32 $0x10, s9;
	s10 =	sadd.s32 s10, s4  }
0x10e: {  	s29 =	simm.s32 $0xD;
	s9 =	sshrl.u32 s9, $0x3;
	s10 =	sadd.s32 $0x2, s10  }
0x10f: {  	[spmem:s9], [sflag:s6] =	dma.local [hbm:s10], $0x6  }
0x110: {  	[smem:s28], [sflag:s7] =	dma.local [hbm:s26], $0x40  }
0x111: {  	_ =	swait.ge [sflag:s29], $0x40  }
0x112: {  	[sflag:s29] =	ssyncset.done $0x0  }
0x113: {  	[sflag:s29] =	ssyncadd.s32 $0xFFFFFFC0  }
0x114: {  	s9 =	sld [smem:$0x10];
	_ =	sdelay $0x1  }
0x115: {  	s30 =	simm.s32 $0x6000  }
0x116: {  	[spmem:s30], [sflag:s5] =	dma.local [hbm:s2], $0x2  }
0x117: {  	s9 =	sshll.u32 s9, $0x4  }
0x118: {  	s9 =	sand.u32 $0x1FFFFFF0, s9  }
0x119: {  	s9 =	sadd.s32 s9, s4  }
0x11a: {  	s31 =	simm.s32 $0x6002;
	s9 =	sadd.s32 $0x2, s9  }
0x11b: {  	[spmem:s31], [sflag:s6] =	dma.local [hbm:s9], $0x6  }
0x11c: {  	s10 =	simm.s32 $0x8;
	s9 =	simm.s32 $0x30000;
	s11 =	sld [smem:$0x11]  }
.LBB1_7:
0x11d: {  	p0 =	sne.s32 s10, $0x7FC;
	s9 =	sadd.s32 $0x80, s9  }
0x11e: {  	s12 =	sshrl.u32 s9, $0x3  }
0x11f: {  	[spmem:s12], [sflag:s5] =	dma.local [hbm:s2], $0x2  }
0x120: {  	s11 =	sshll.u32 s11, $0x4  }
0x121: {  	s11 =	sand.u32 $0x1FFFFFF0, s11  }
.Ltmp3:
0x122: {  	s12 =	sadd.s32 $0x10, s9;
	s11 =	sadd.s32 s11, s4;
	(pc) =	sbr.rel @p0 .LBB1_7-.Ltmp3, $3  }
0x123: {  	s13 =	sshra.s32 s10, $0x2;
	s12 =	sshrl.u32 s12, $0x3;
	s11 =	sadd.s32 $0x2, s11  }
0x124: {  	[spmem:s12], [sflag:s6] =	dma.local [hbm:s11], $0x6  }
0x125: {  	s10 =	sadd.s32 $0x4, s10;
	s11 =	sld [smem:s13+$0x10]  }
0x126: {  	s9 =	sadd.s32 $0x80, s9  }
0x127: {  	s10 =	sshrl.u32 s9, $0x3  }
0x128: {  	[spmem:s10], [sflag:s5] =	dma.local [hbm:s2], $0x2  }
0x129: {  	s25 =	sshll.u32 s11, $0x4  }
0x12a: {  	s26 =	sadd.s32 $0x100, s8;
	s10 =	sand.u32 $0x1FFFFFF0, s25  }
0x12b: {  	s28 =	simm.s32 $0x10;
	s9 =	sadd.s32 $0x10, s9;
	s10 =	sadd.s32 s10, s4  }
0x12c: {  	s29 =	simm.s32 $0xD;
	s9 =	sshrl.u32 s9, $0x3;
	s10 =	sadd.s32 $0x2, s10  }
0x12d: {  	[spmem:s9], [sflag:s6] =	dma.local [hbm:s10], $0x6  }
0x12e: {  	[smem:s28], [sflag:s7] =	dma.local [hbm:s26], $0x40  }
0x12f: {  	_ =	swait.ge [sflag:s29], $0x40  }
0x130: {  	[sflag:s29] =	ssyncset.done $0x0  }
0x131: {  	[sflag:s29] =	ssyncadd.s32 $0xFFFFFFC0  }
0x132: {  	s9 =	sld [smem:$0x10];
	_ =	sdelay $0x1  }
0x133: {  	s30 =	simm.s32 $0x8000  }
0x134: {  	[spmem:s30], [sflag:s5] =	dma.local [hbm:s2], $0x2  }
0x135: {  	s9 =	sshll.u32 s9, $0x4  }
0x136: {  	s9 =	sand.u32 $0x1FFFFFF0, s9  }
0x137: {  	s9 =	sadd.s32 s9, s4  }
0x138: {  	s31 =	simm.s32 $0x8002;
	s9 =	sadd.s32 $0x2, s9  }
0x139: {  	[spmem:s31], [sflag:s6] =	dma.local [hbm:s9], $0x6  }
0x13a: {  	s10 =	simm.s32 $0x8;
	s9 =	simm.s32 $0x40000;
	s11 =	sld [smem:$0x11]  }
.LBB1_9:
0x13b: {  	p0 =	sne.s32 s10, $0x7FC;
	s9 =	sadd.s32 $0x80, s9  }
0x13c: {  	s12 =	sshrl.u32 s9, $0x3  }
0x13d: {  	[spmem:s12], [sflag:s5] =	dma.local [hbm:s2], $0x2  }
0x13e: {  	s11 =	sshll.u32 s11, $0x4  }
0x13f: {  	s11 =	sand.u32 $0x1FFFFFF0, s11  }
.Ltmp4:
0x140: {  	s12 =	sadd.s32 $0x10, s9;
	s11 =	sadd.s32 s11, s4;
	(pc) =	sbr.rel @p0 .LBB1_9-.Ltmp4, $3  }
0x141: {  	s13 =	sshra.s32 s10, $0x2;
	s12 =	sshrl.u32 s12, $0x3;
	s11 =	sadd.s32 $0x2, s11  }
0x142: {  	[spmem:s12], [sflag:s6] =	dma.local [hbm:s11], $0x6  }
0x143: {  	s10 =	sadd.s32 $0x4, s10;
	s11 =	sld [smem:s13+$0x10]  }
0x144: {  	s9 =	sadd.s32 $0x80, s9  }
0x145: {  	s10 =	sshrl.u32 s9, $0x3  }
0x146: {  	[spmem:s10], [sflag:s5] =	dma.local [hbm:s2], $0x2  }
0x147: {  	s26 =	sshll.u32 s11, $0x4  }
0x148: {  	s8 =	sadd.s32 $0x140, s8;
	s10 =	sand.u32 $0x1FFFFFF0, s26  }
0x149: {  	s28 =	simm.s32 $0x10;
	s9 =	sadd.s32 $0x10, s9;
	s10 =	sadd.s32 s10, s4  }
0x14a: {  	s29 =	simm.s32 $0xD;
	s9 =	sshrl.u32 s9, $0x3;
	s10 =	sadd.s32 $0x2, s10  }
0x14b: {  	[spmem:s9], [sflag:s6] =	dma.local [hbm:s10], $0x6  }
0x14c: {  	[smem:s28], [sflag:s7] =	dma.local [hbm:s8], $0x40  }
0x14d: {  	_ =	swait.ge [sflag:s29], $0x40  }
0x14e: {  	[sflag:s29] =	ssyncset.done $0x0  }
0x14f: {  	[sflag:s29] =	ssyncadd.s32 $0xFFFFFFC0  }
0x150: {  	s7 =	sld [smem:$0x10];
	_ =	sdelay $0x1  }
0x151: {  	s30 =	simm.s32 $0xA000  }
0x152: {  	[spmem:s30], [sflag:s5] =	dma.local [hbm:s2], $0x2  }
0x153: {  	s7 =	sshll.u32 s7, $0x4  }
0x154: {  	s7 =	sand.u32 $0x1FFFFFF0, s7  }
0x155: {  	s7 =	sadd.s32 s7, s4  }
0x156: {  	s31 =	simm.s32 $0xA002;
	s7 =	sadd.s32 $0x2, s7  }
0x157: {  	[spmem:s31], [sflag:s6] =	dma.local [hbm:s7], $0x6  }
0x158: {  	s8 =	simm.s32 $0x8;
	s7 =	simm.s32 $0x50000;
	s9 =	sld [smem:$0x11]  }
.LBB1_11:
0x159: {  	p0 =	sne.s32 s8, $0x7FC;
	s7 =	sadd.s32 $0x80, s7  }
0x15a: {  	s10 =	sshrl.u32 s7, $0x3  }
0x15b: {  	[spmem:s10], [sflag:s5] =	dma.local [hbm:s2], $0x2  }
0x15c: {  	s9 =	sshll.u32 s9, $0x4  }
0x15d: {  	s9 =	sand.u32 $0x1FFFFFF0, s9  }
.Ltmp5:
0x15e: {  	s10 =	sadd.s32 $0x10, s7;
	s9 =	sadd.s32 s9, s4;
	(pc) =	sbr.rel @p0 .LBB1_11-.Ltmp5, $3  }
0x15f: {  	s11 =	sshra.s32 s8, $0x2;
	s10 =	sshrl.u32 s10, $0x3;
	s9 =	sadd.s32 $0x2, s9  }
0x160: {  	[spmem:s10], [sflag:s6] =	dma.local [hbm:s9], $0x6  }
0x161: {  	s8 =	sadd.s32 $0x4, s8;
	s9 =	sld [smem:s11+$0x10]  }
0x162: {  	s7 =	sadd.s32 $0x80, s7  }
0x163: {  	s8 =	sshrl.u32 s7, $0x3  }
0x164: {  	[spmem:s8], [sflag:s5] =	dma.local [hbm:s2], $0x2  }
0x165: {  	s29 =	sshll.u32 s9, $0x4  }
0x166: {  	s2 =	sand.u32 $0x1FFFFFF0, s29  }
0x167: {  	s30 =	sadd.s32 $0x10, s7;
	s2 =	sadd.s32 s2, s4  }
0x168: {  	s31 =	sshrl.u32 s30, $0x3;
	s2 =	sadd.s32 $0x2, s2  }
0x169: {  	[spmem:s31], [sflag:s6] =	dma.local [hbm:s2], $0x6  }
0x16a: {  	s2 =	simm.s32 $0xA  }
0x16b: {  	_ =	swait.ge [sflag:s2], $0x2  }
0x16c: {  	[sflag:s2] =	ssyncset.done $0x0  }
0x16d: {  	[sflag:s2] =	ssyncadd.s32 $0xFFFFFFFE;
	_ =	sdelay $0x1  }
0x16e: {  	s4 =	simm.s32 $0xB  }
0x16f: {  	_ =	swait.ge [sflag:s4], $0x6  }
0x170: {  	s5 =	simm.s32 $0xBFF;
	[sflag:s4] =	ssyncset.done $0x0  }
.LBB1_13:
0x171: {  	[sflag:s4] =	ssyncadd.s32 $0xFFFFFFFA;
	_ =	sdelay $0x1  }
0x172: {  	p0 =	sne.s32 s5, $0x1;
	s5 =	sadd.s32 $0xFFFFFFFF, s5  }
0x173: {  	_ =	swait.ge [sflag:s2], $0x2  }
0x174: {  	[sflag:s2] =	ssyncset.done $0x0  }
0x175: {  	[sflag:s2] =	ssyncadd.s32 $0xFFFFFFFE  }
.Ltmp6:
0x176: {  	(pc) =	sbr.rel @p0 .LBB1_13-.Ltmp6, $3  }
0x177: {  	_ = 	snop  }
0x178: {  	_ =	swait.ge [sflag:s4], $0x6  }
0x179: {  	[sflag:s4] =	ssyncset.done $0x0  }
0x17a: {  	s2 =	smul.u32 $0xC000, s0  }
0x17b: {  	[sflag:s4] =	ssyncadd.s32 $0xFFFFFFFA  }
0x17c: {  	s24 =	simm.s32 $0x0;
	s25 =	simm.s32 $0xC;
	s2 =	sadd.s32 s2, s3  }
0x17d: {  	[hbm:s2], [sflag:s25] =	dma.local [spmem:s24], $0xC000  }
0x17e: {  	_ =	swait.ge [sflag:s25], $0xC000  }
0x17f: {  	[sflag:s25] =	ssyncset.done $0x0  }
0x180: {  	[sflag:s25] =	ssyncadd.s32 $0xFFFF4000  }
0x181: {  	_ =	strace $0x90000046  }
0x182: {  	s26 =	simm.s32 $0x9;
	_ =	strace $0x80000048  }
0x183: {  	_ =	swait.ge [sflag:s26], $0x1  }
0x184: {  	[sflag:s26] =	ssyncadd.s32 $0xFFFFFFFF  }
0x185: {  	_ =	strace $0x90000048  }
0x186: {  	_ =	sfence  }
0x187: {  	s28 =	sld [smem:$0x0];
	_ =	sdelay $0x2  }
0x188: {  	s29 =	sshll.u32 s1, $0xD;
	s30 =	sshrl.u32 s1, $0x2  }
0x189: {  	s4 =	sand.u32 $0x4000, s29;
	s1 =	sadd.s32 s30, s28  }
0x18a: {  	s31 =	sor.u32 s4, s0;
	s1 =	sshll.u32 s1, $0x11  }
0x18b: {  	s0 =	sor.u32 s1, s31  }
0x18c: {  	s0 =	sadd.s32 $0x8F2B, s0  }
0x18d: {  	[sflag:s0] =	ssyncadd.remote.s32 $0x1  }
0x18e: {  	_ =	sfence.sel $0xFFFF  }
0x18f: {  	[dreg:$0x0] =	wrdreg $0xFFFFFFFF;
	(pc) =	sbr.abs _section_cstart, $3  }
0x190: {  	[dreg:$0x1] =	wrdreg $0xFFFFFFFF  }
0x191: {  	_ =	task.clear_ibuf [dreg:s24], $0x2FFFF;
	_ =	strace $0x9FFFFFFF  }
0x192: {  	(tm) =	ssettm $0x7FFFFFFF  }
0x193: {  	_ =	shalt  }
tec
execute0_lowered:
.L_overlay_start_1:
0x0: {  	(tag) =	ssettag $0x1  }
0x1: {  	s1 =	srdreg.scid;
	s4 =	rddreg [dreg:$0x0]  }
0x2: {  	s0 =	stileid.u32;
	s6 =	rddreg [dreg:$0x1]  }
0x3: {  	s2 =	rddreg [dreg:$0x2];
	s5 =	sand.u32 $0x1, s1;
	s30 =	sshll.u32 s0, $0x1  }
0x4: {  	s3 =	simm.s32 $0x0;
	s10 =	simm.s32 $0x1;
	s1 =	sor.u32 s5, s30  }
0x5: {  	s11 =	simm.s32 $0x3180;
	s5 =	ssub.s32 $0x2, s5;
	s7 =	smul.u32 $0x140, s1  }
0x6: {  	s12 =	simm.s32 $0x0;
	[smem:$0x7FF] =	sst s3;
	s9 =	sshrl.u32 s5, $0x1  }
0x7: {  	_ =	strace $0x80000047;
	s9 =	ssub.s32 s5, s9;
	s7 =	sadd.s32 $0x1800, s7  }
0x8: {  	s5 =	sadd.s32 $0x402, s6;
	s8 =	sshll.u32 s7, $0x4;
	s31 =	sshrl.u32 s7, $0x3  }
0x9: {  	s7 =	smax.u32 s9, $0x1;
	s9 =	simm.s32 $0xD180;
	s8 =	sadd.s32 s8, s6  }
0xa: {  	s4 =	sadd.s32 s4, s31;
	s6 =	sadd.s32 $0xF42800, s8;
	s8 =	simm.s32 $0x2  }
.LBB2_1:
0xb: {  	s14 =	simm.s32 $0x3000  }
0xc: {  	[tilespmem:s14], [sflag:$0x2] =	stream.linear.gather [hbm4b:s4+s3], $0x140, $0x38;
	[tilespmem:$0xD200] =	vst v63  }
0xd: {  	_ =	swait.ge [sflag:s8], $0x140  }
0xe: {  	[sflag:s8] =	ssyncset.done $0x0  }
0xf: {  	[sflag:s8] =	ssyncadd.s32 $0xFFFFFEC0  }
0x10: {  	[tilespmem:s9], [sflag:$0x2] =	stream.linear.gather [hbm4b:s2+s3], $0x80, $0x38;
	[tilespmem:$0xD200] =	vst v63  }
0x11: {  	_ =	swait.ge [sflag:s8], $0x80  }
0x12: {  	[sflag:s8] =	ssyncset.done $0x0  }
0x13: {  	[sflag:s8] =	ssyncadd.s32 $0xFFFFFF80  }
0x14: {  	v0 =	vld [tilespmem:s14+$0x0];
	_ =	sdelay $0x4  }
0x15: {  	v0 =	vshll.u32 v0, $0x4  }
0x16: {  	(v2sf) =	vpush v0, $0x0  }
0x17: {  	(v2sf) =	vpush v0, $0x1  }
0x18: {  	(v2sf) =	vpush v0, $0x2;
	_ =	sdelay $0x1  }
0x19: {  	(v2sf) =	vpush v0, $0x4;
	_ =	sdelay $0x1  }
0x1a: {  	(v2sf) =	vpush v0, $0x3  }
0x1b: {  	(v2sf) =	vpush v0, $0x5  }
0x1c: {  	s15 =	simm.s32 $0x2000;
	s13 =	simm.s32 $0x0;
	(v2sf) =	vpush v0, $0x6  }
.LBB2_2:
0x1d: {  	p0 =	sne.s32 s15, $0x26000  }
0x1e: {  	s25 =	sadd.s32 $0x3210, s13;
	s19 =	sadd.s32 $0x3710, s13;
	s16 =	smov.u32 s15  }
0x1f: {  	s15 =	sadd.s32 $0x2000, s15;
	s22 =	sadd.s32 $0x3510, s13;
	s17 =	sadd.s32 $0x3790, s13;
	(v2sf) =	vpush v0, $0x7  }
0x20: {  	s24 =	sadd.s32 $0x3410, s13;
	s21 =	sadd.s32 $0x3590, s13;
	s18 =	sadd.s32 $0x3810, s13  }
0x21: {  	s26 =	sadd.s32 $0x3190, s13;
	s28 =	sadd.s32 $0x3390, s13;
	(v2sf) =	vpush v0, $0x8  }
0x22: {  	s29 =	sadd.s32 $0x3490, s13;
	s14 =	sadd.s32 $0x10, s14  }
0x23: {  	s30 =	sadd.s32 $0x3290, s13;
	s20 =	sadd.s32 $0x3690, s13;
	s23 =	spop (v2sf);
	(v2sf) =	vpush v0, $0x9  }
0x24: {  	s31 =	sand.u32 $0x1FFFFFF0, s23;
	s23 =	sadd.s32 $0x3610, s13;
	s1 =	spop (v2sf)  }
0x25: {  	s31 =	sadd.s32 s31, s5;
	s1 =	sand.u32 $0x1FFFFFF0, s1;
	s0 =	spop (v2sf);
	(v2sf) =	vpush v0, $0xA  }
0x26: {  	[tilespmem:s26], [sflag:$0x1] =	stream.linear.gather [hbm4b:s31+s3], $0x30, $0x38;
	[tilespmem:$0xD200] =	vst v63  }
0x27: {  	s1 =	sadd.s32 s1, s5;
	s26 =	sadd.s32 $0x3310, s13;
	s31 =	spop (v2sf);
	(v2sf) =	vpush v0, $0xB  }
0x28: {  	[tilespmem:s25], [sflag:$0x1] =	stream.linear.gather [hbm4b:s1+s3], $0x30, $0x38;
	[tilespmem:$0xD200] =	vst v63  }
0x29: {  	s0 =	sand.u32 $0x1FFFFFF0, s0;
	s1 =	sand.u32 $0x1FFFFFF0, s31;
	s25 =	spop (v2sf);
	(v2sf) =	vpush v0, $0xC  }
0x2a: {  	s0 =	sadd.s32 s0, s5;
	s25 =	sand.u32 $0x1FFFFFF0, s25;
	s31 =	spop (v2sf)  }
0x2b: {  	[tilespmem:s30], [sflag:$0x1] =	stream.linear.gather [hbm4b:s0+s3], $0x30, $0x38;
	(v2sf) =	vpush v0, $0xD;
	[tilespmem:$0xD200] =	vst v63  }
0x2c: {  	s0 =	sadd.s32 s25, s5;
	s25 =	sand.u32 $0x1FFFFFF0, s31;
	s30 =	spop (v2sf)  }
0x2d: {  	[tilespmem:s26], [sflag:$0x1] =	stream.linear.gather [hbm4b:s0+s3], $0x30, $0x38;
	(v2sf) =	vpush v0, $0xE;
	[tilespmem:$0xD200] =	vst v63  }
0x2e: {  	s0 =	sadd.s32 s1, s5;
	s1 =	sand.u32 $0x1FFFFFF0, s30;
	s26 =	spop (v2sf)  }
0x2f: {  	[tilespmem:s28], [sflag:$0x1] =	stream.linear.gather [hbm4b:s0+s3], $0x30, $0x38;
	(v2sf) =	vpush v0, $0xF;
	[tilespmem:$0xD200] =	vst v63  }
0x30: {  	s0 =	sadd.s32 s25, s5;
	s25 =	sand.u32 $0x1FFFFFF0, s26;
	s26 =	spop (v2sf)  }
0x31: {  	[tilespmem:s24], [sflag:$0x1] =	stream.linear.gather [hbm4b:s0+s3], $0x30, $0x38;
	[tilespmem:$0xD200] =	vst v63  }
0x32: {  	s0 =	sadd.s32 s1, s5;
	s1 =	sand.u32 $0x1FFFFFF0, s26;
	s24 =	spop (v2sf)  }
0x33: {  	[tilespmem:s29], [sflag:$0x1] =	stream.linear.gather [hbm4b:s0+s3], $0x30, $0x38;
	[tilespmem:$0xD200] =	vst v63  }
0x34: {  	s0 =	sadd.s32 s25, s5;
	s24 =	sand.u32 $0x1FFFFFF0, s24;
	s25 =	spop (v2sf)  }
0x35: {  	[tilespmem:s22], [sflag:$0x1] =	stream.linear.gather [hbm4b:s0+s3], $0x30, $0x38;
	[tilespmem:$0xD200] =	vst v63  }
0x36: {  	s0 =	sadd.s32 s1, s5;
	s1 =	sand.u32 $0x1FFFFFF0, s25;
	s22 =	spop (v2sf)  }
0x37: {  	[tilespmem:s21], [sflag:$0x1] =	stream.linear.gather [hbm4b:s0+s3], $0x30, $0x38;
	[tilespmem:$0xD200] =	vst v63  }
0x38: {  	s0 =	sadd.s32 s24, s5;
	s21 =	sand.u32 $0x1FFFFFF0, s22;
	s22 =	spop (v2sf)  }
0x39: {  	[tilespmem:s23], [sflag:$0x1] =	stream.linear.gather [hbm4b:s0+s3], $0x30, $0x38;
	[tilespmem:$0xD200] =	vst v63  }
0x3a: {  	s0 =	sadd.s32 s1, s5;
	s1 =	sand.u32 $0x1FFFFFF0, s22;
	s22 =	spop (v2sf)  }
0x3b: {  	[tilespmem:s20], [sflag:$0x1] =	stream.linear.gather [hbm4b:s0+s3], $0x30, $0x38;
	[tilespmem:$0xD200] =	vst v63  }
0x3c: {  	s0 =	sadd.s32 s21, s5;
	s20 =	sand.u32 $0x1FFFFFF0, s22;
	s21 =	spop (v2sf)  }
0x3d: {  	[tilespmem:s19], [sflag:$0x1] =	stream.linear.gather [hbm4b:s0+s3], $0x30, $0x38;
	[tilespmem:$0xD200] =	vst v63  }
0x3e: {  	s0 =	sadd.s32 s1, s5;
	s1 =	sand.u32 $0x1FFFFFF0, s21;
	s19 =	spop (v2sf)  }
0x3f: {  	[tilespmem:s17], [sflag:$0x1] =	stream.linear.gather [hbm4b:s0+s3], $0x30, $0x38;
	[tilespmem:$0xD200] =	vst v63  }
0x40: {  	s0 =	sadd.s32 s20, s5;
	s17 =	sand.u32 $0x1FFFFFF0, s19  }
0x41: {  	[tilespmem:s18], [sflag:$0x1] =	stream.linear.gather [hbm4b:s0+s3], $0x30, $0x38;
	[tilespmem:$0xD200] =	vst v63  }
0x42: {  	s1 =	sadd.s32 s1, s5;
	s0 =	sadd.s32 $0x3890, s13  }
0x43: {  	[tilespmem:s0], [sflag:$0x1] =	stream.linear.gather [hbm4b:s1+s3], $0x30, $0x38;
	[tilespmem:$0xD200] =	vst v63  }
0x44: {  	s0 =	sadd.s32 $0x3910, s13;
	s1 =	sadd.s32 s17, s5  }
0x45: {  	[tilespmem:s0], [sflag:$0x1] =	stream.linear.gather [hbm4b:s1+s3], $0x30, $0x38;
	[tilespmem:$0xD200] =	vst v63  }
0x46: {  	v0 =	vld [tilespmem:s14+$0x0];
	_ =	sdelay $0x4  }
0x47: {  	v0 =	vshll.u32 v0, $0x4  }
0x48: {  	(v2sf) =	vpush v0, $0x0  }
0x49: {  	(v2sf) =	vpush v0, $0x1  }
0x4a: {  	(v2sf) =	vpush v0, $0x2;
	_ =	sdelay $0x1  }
0x4b: {  	(v2sf) =	vpush v0, $0x4  }
.Ltmp7:
0x4c: {  	(pc) =	sbr.rel @p0 .LBB2_2-.Ltmp7, $3  }
0x4d: {  	(v2sf) =	vpush v0, $0x3  }
0x4e: {  	(v2sf) =	vpush v0, $0x5;
	_ =	sdelay $0x1  }
0x4f: {  	s13 =	sshra.s32 s16, $0x2;
	(v2sf) =	vpush v0, $0x6  }
0x50: {  	_ =	sdelay $0x1  }
0x51: {  	s0 =	sadd.s32 $0x3210, s13;
	s16 =	sadd.s32 $0x3710, s13  }
0x52: {  	s1 =	sadd.s32 $0x3510, s13;
	s14 =	sadd.s32 $0x3790, s13;
	(v2sf) =	vpush v0, $0x7;
	s17 =	sadd.s32 $0x3410, s13  }
0x53: {  	s18 =	sadd.s32 $0x3590, s13;
	s15 =	sadd.s32 $0x3810, s13;
	s19 =	sadd.s32 $0x3190, s13  }
0x54: {  	s20 =	sadd.s32 $0x3390, s13;
	s21 =	sadd.s32 $0x3490, s13;
	(v2sf) =	vpush v0, $0x8;
	s22 =	spop (v2sf)  }
0x55: {  	s23 =	sadd.s32 $0x3290, s13;
	s22 =	sand.u32 $0x1FFFFFF0, s22;
	s24 =	spop (v2sf)  }
0x56: {  	(v2sf) =	vpush v0, $0x9;
	s22 =	sadd.s32 s22, s5;
	s24 =	sand.u32 $0x1FFFFFF0, s24;
	s25 =	spop (v2sf)  }
0x57: {  	[tilespmem:s19], [sflag:$0x1] =	stream.linear.gather [hbm4b:s22+s3], $0x30, $0x38;
	[tilespmem:$0xD200] =	vst v63  }
0x58: {  	(v2sf) =	vpush v0, $0xA;
	s26 =	sadd.s32 s24, s5;
	s29 =	sand.u32 $0x1FFFFFF0, s25;
	s28 =	spop (v2sf)  }
0x59: {  	[tilespmem:s0], [sflag:$0x1] =	stream.linear.gather [hbm4b:s26+s3], $0x30, $0x38;
	[tilespmem:$0xD200] =	vst v63  }
0x5a: {  	s19 =	sadd.s32 $0x3690, s13;
	(v2sf) =	vpush v0, $0xB;
	s22 =	sadd.s32 s29, s5;
	s30 =	spop (v2sf)  }
0x5b: {  	s0 =	sadd.s32 $0x3610, s13;
	s26 =	sadd.s32 $0x3310, s13;
	s25 =	sand.u32 $0x1FFFFFF0, s30  }
0x5c: {  	(v2sf) =	vpush v0, $0xC;
	[tilespmem:s23], [sflag:$0x1] =	stream.linear.gather [hbm4b:s22+s3], $0x30, $0x38;
	[tilespmem:$0xD200] =	vst v63  }
0x5d: {  	s31 =	sand.u32 $0x1FFFFFF0, s28;
	s28 =	spop (v2sf);
	s29 =	sadd.s32 s25, s5  }
0x5e: {  	(v2sf) =	vpush v0, $0xD;
	[tilespmem:s26], [sflag:$0x1] =	stream.linear.gather [hbm4b:s29+s3], $0x30, $0x38;
	[tilespmem:$0xD200] =	vst v63  }
0x5f: {  	s22 =	sadd.s32 s31, s5;
	s23 =	sand.u32 $0x1FFFFFF0, s28;
	s30 =	spop (v2sf)  }
0x60: {  	(v2sf) =	vpush v0, $0xE;
	[tilespmem:s20], [sflag:$0x1] =	stream.linear.gather [hbm4b:s22+s3], $0x30, $0x38;
	[tilespmem:$0xD200] =	vst v63  }
0x61: {  	s23 =	sadd.s32 s23, s5;
	s31 =	sand.u32 $0x1FFFFFF0, s30;
	s24 =	spop (v2sf)  }
0x62: {  	(v2sf) =	vpush v0, $0xF;
	[tilespmem:s17], [sflag:$0x1] =	stream.linear.gather [hbm4b:s23+s3], $0x30, $0x38;
	[tilespmem:$0xD200] =	vst v63  }
0x63: {  	s25 =	sand.u32 $0x1FFFFFF0, s24;
	s26 =	spop (v2sf);
	s20 =	sadd.s32 s31, s5  }
0x64: {  	[tilespmem:s21], [sflag:$0x1] =	stream.linear.gather [hbm4b:s20+s3], $0x30, $0x38;
	[tilespmem:$0xD200] =	vst v63  }
0x65: {  	s28 =	sand.u32 $0x1FFFFFF0, s26;
	s17 =	sadd.s32 s25, s5;
	s29 =	spop (v2sf)  }
0x66: {  	[tilespmem:s1], [sflag:$0x1] =	stream.linear.gather [hbm4b:s17+s3], $0x30, $0x38;
	[tilespmem:$0xD200] =	vst v63  }
0x67: {  	s20 =	sadd.s32 s28, s5;
	s30 =	sand.u32 $0x1FFFFFF0, s29;
	s31 =	spop (v2sf)  }
0x68: {  	[tilespmem:s18], [sflag:$0x1] =	stream.linear.gather [hbm4b:s20+s3], $0x30, $0x38;
	[tilespmem:$0xD200] =	vst v63  }
0x69: {  	s17 =	sand.u32 $0x1FFFFFF0, s31;
	s1 =	sadd.s32 s30, s5;
	s20 =	spop (v2sf)  }
0x6a: {  	[tilespmem:s0], [sflag:$0x1] =	stream.linear.gather [hbm4b:s1+s3], $0x30, $0x38;
	[tilespmem:$0xD200] =	vst v63  }
0x6b: {  	s17 =	sadd.s32 s17, s5;
	s21 =	sand.u32 $0x1FFFFFF0, s20;
	s22 =	spop (v2sf)  }
0x6c: {  	[tilespmem:s19], [sflag:$0x1] =	stream.linear.gather [hbm4b:s17+s3], $0x30, $0x38;
	[tilespmem:$0xD200] =	vst v63  }
0x6d: {  	s0 =	sadd.s32 s21, s5;
	s1 =	sand.u32 $0x1FFFFFF0, s22;
	s23 =	spop (v2sf)  }
0x6e: {  	[tilespmem:s16], [sflag:$0x1] =	stream.linear.gather [hbm4b:s0+s3], $0x30, $0x38;
	[tilespmem:$0xD200] =	vst v63  }
0x6f: {  	s24 =	sand.u32 $0x1FFFFFF0, s23;
	s1 =	sadd.s32 s1, s5;
	s25 =	spop (v2sf)  }
0x70: {  	[tilespmem:s14], [sflag:$0x1] =	stream.linear.gather [hbm4b:s1+s3], $0x30, $0x38;
	[tilespmem:$0xD200] =	vst v63  }
0x71: {  	s26 =	sand.u32 $0x1FFFFFF0, s25;
	s28 =	spop (v2sf);
	s0 =	sadd.s32 s24, s5  }
0x72: {  	[tilespmem:s15], [sflag:$0x1] =	stream.linear.gather [hbm4b:s0+s3], $0x30, $0x38;
	[tilespmem:$0xD200] =	vst v63  }
0x73: {  	s30 =	sadd.s32 $0x3890, s13;
	s29 =	sand.u32 $0x1FFFFFF0, s28;
	s1 =	sadd.s32 s26, s5  }
0x74: {  	[tilespmem:s30], [sflag:$0x1] =	stream.linear.gather [hbm4b:s1+s3], $0x30, $0x38;
	[tilespmem:$0xD200] =	vst v63  }
0x75: {  	s31 =	sadd.s32 $0x3910, s13;
	s0 =	sadd.s32 s29, s5  }
0x76: {  	[tilespmem:s31], [sflag:$0x1] =	stream.linear.gather [hbm4b:s0+s3], $0x30, $0x38;
	[tilespmem:$0xD200] =	vst v63  }
0x77: {  	s13 =	simm.s32 $0x0;
	v0 =	vld [tilespmem:$0xD180]  }
.LBB2_4:
0x78: {  	p0 =	sne.s32 s13, $0x27E00  }
.Ltmp8:
0x79: {  	_ = 	snop;
	(pc) =	sbr.rel @p0 .LBB2_4-.Ltmp8, $3  }
0x7a: {  	_ =	sdelay $0x1  }
0x7b: {  	s0 =	sshra.s32 s13, $0x2  }
0x7c: {  	s13 =	sadd.s32 $0x200, s13;
	[tilespmem:s0+$0x3180] =	vst v0  }
0x7d: {  	_ =	swait.ge [sflag:s10], $0x30  }
0x7e: {  	s13 =	simm.s32 $0x13F;
	[sflag:s10] =	ssyncset.done $0x0  }
.LBB2_6:
0x7f: {  	p0 =	sne.s32 s13, $0x1;
	s13 =	sadd.s32 $0xFFFFFFFF, s13;
	[sflag:s10] =	ssyncadd.s32 $0xFFFFFFD0  }
.Ltmp9:
0x80: {  	(pc) =	sbr.rel @p0 .LBB2_6-.Ltmp9, $3  }
0x81: {  	_ =	sdelay $0x1  }
0x82: {  	_ =	swait.ge [sflag:s10], $0x30  }
0x83: {  	[sflag:s10] =	ssyncset.done $0x0  }
0x84: {  	s12 =	sadd.s32 $0x1, s12  }
0x85: {  	p0 =	sne.s32 s12, s7  }
.Ltmp10:
0x86: {  	[sflag:s10] =	ssyncadd.s32 $0xFFFFFFD0;
	(pc) =	sbr.rel @p0 .LBB2_1-.Ltmp10, $4  }
0x87: {  	[hbm4b:s6+s3] =	stream.linear.scatter [tilespmem:s11], [sflag:$0x2], $0xA000, $0x38;
	[tilespmem:$0xD200] =	vst v63  }
0x88: {  	_ =	swait.ge [sflag:s8], $0xA000  }
0x89: {  	[sflag:s8] =	ssyncset.done $0x0  }
0x8a: {  	[sflag:s8] =	ssyncadd.s32 $0xFFFF6000  }
0x8b: {  	_ =	sfence.sel $0x180000  }
0x8c: {  	[bflag:$0x0] =	sbarrier.arrive $0xFFFF  }
0x8d: {  	_ =	strace $0x90000047  }
0x8e: {  	s0 =	stileid.u32;
	[bflag:$0x2] =	sbarrier.arrive $0xFFFF  }
0x8f: {  	p0 =	sne.s32 s0, $0x0;
	s0 =	rddreg [dreg:$0x3]  }
0x90: {  	s0 =	sadd.s32 @!p0 $0x100000, s0  }
0x91: {  	[sflag:s0] =	ssyncadd.tile.s32 @!p0 $0x1;
	_ =	shalt  }
.Lfunc_end2:
_tile_overlayer_lowered:
.L_overlay_start_2:
0x92: {  	(tag) =	ssettag $0x2  }
0x93: {  	s0 =	rddreg [dreg:$0x0];
	s2 =	stileid.u32  }
0x94: {  	s1 =	rddreg [dreg:$0x1];
	p0 =	sne.s32 s2, $0x0  }
0x95: {  	s3 =	rddreg [dreg:$0x2];
	[bflag:$0x3] =	sbarrier.arrive $0xFFFF;
	s2 =	simm.s32 @!p0 $0x1C02  }
0x96: {  	[timem:s3], [sflag:s2] =	dma.local @!p0 [hbm:s0], s1  }
0x97: {  	s0 =	simm.s32 @!p0 $0x2  }
0x98: {  	_ =	swait.ge @!p0 [sflag:s0], s1  }
0x99: {  	s1 =	ssub.s32 @!p0 $0x0, s1;
	[sflag:s0] =	ssyncset.done @!p0 $0x0  }
0x9a: {  	[sflag:s0] =	ssyncadd.s32 @!p0 s1  }
0x9b: {  	[bflag:$0x3] =	sbarrier.arrive $0xFFFF  }
0x9c: {  	_ =	shalt  }

</sc_bundles>
